<compile_context>
chip_gen: v7x
topology: tpu7x:2x2x1
jax: 0.10.2.dev20260603
libtpu: 0.0.44.dev20260713+nightly
codegen_flags: <defaults>
</compile_context>

<pallas_src>
import functools

import jax
import jax.numpy as jnp
from jax import lax
from jax.experimental import pallas as pl
from jax.experimental.pallas import tpu as pltpu
from jax.experimental.pallas import tpu_sc as plsc

N = 10000
E = 320000
D = 128
N_LAYERS = 3
ALPHA = sum(1.0 / (1 + k) for k in range(N_LAYERS))

NC, NS, L = 2, 16, 16
NW = NC * NS
EPW = E // NW
C = 80
NCHUNK = EPW // C
RPT = N // NS
ZR = 125
NZ = RPT // ZR

_mesh = plsc.VectorSubcoreMesh(
    core_axis_name="c", subcore_axis_name="s", num_cores=NC, num_subcores=NS
)
_sc_params = pltpu.CompilerParams(
    needs_layout_passes=False, use_tc_tiling_on_sc=False
)


@functools.partial(
    pl.kernel,
    out_type=jax.ShapeDtypeStruct((NW, 2, N), jnp.float32),
    mesh=_mesh,
    scratch_types=[
        pltpu.VMEM((EPW,), jnp.int32),
        pltpu.VMEM((EPW,), jnp.int32),
        pltpu.VMEM((N,), jnp.float32),
        pltpu.VMEM((N,), jnp.float32),
        pltpu.SemaphoreType.DMA,
        pltpu.SemaphoreType.DMA,
    ],
    compiler_params=_sc_params,
)
def _deg_kernel(src_hbm, dst_hbm, deg_hbm, ev_s, ev_d, cnt_s, cnt_d, dma_s, dma_d):
    c = lax.axis_index("c")
    s = lax.axis_index("s")
    wid = c * NS + s
    base = wid * EPW
    zeros = jnp.zeros((L,), jnp.float32)
    ones = jnp.ones((L,), jnp.float32)

    pltpu.async_copy(src_hbm.at[pl.ds(base, EPW)], ev_s, dma_s)
    pltpu.async_copy(dst_hbm.at[pl.ds(base, EPW)], ev_d, dma_d)

    def zero_body(g, _):
        for u in range(5):
            cnt_s[pl.ds((5 * g + u) * L, L)] = zeros
            cnt_d[pl.ds((5 * g + u) * L, L)] = zeros
        return 0

    lax.fori_loop(0, N // L // 5, zero_body, 0)

    for cnt, eh, ev, dma in (
        (cnt_s, src_hbm, ev_s, dma_s),
        (cnt_d, dst_hbm, ev_d, dma_d),
    ):
        pltpu.make_async_copy(eh.at[pl.ds(base, EPW)], ev, dma).wait()

        def acc_body(g, _, cnt=cnt, ev=ev):
            for u in range(5):
                idx = ev[pl.ds((5 * g + u) * L, L)]
                plsc.addupdate_scatter(cnt, [idx], ones)
            return 0

        lax.fori_loop(0, EPW // L // 5, acc_body, 0)

    pltpu.async_copy(cnt_s, deg_hbm.at[wid, 0], dma_s)
    pltpu.async_copy(cnt_d, deg_hbm.at[wid, 1], dma_d)
    pltpu.make_async_copy(cnt_s, deg_hbm.at[wid, 0], dma_s).wait()
    pltpu.make_async_copy(cnt_d, deg_hbm.at[wid, 1], dma_d).wait()


def _norm_body(emb_ref, deg_ref, m_ref, innorm_ref):
    out_deg = jnp.sum(deg_ref[:, 0, :], axis=0)
    in_deg = jnp.sum(deg_ref[:, 1, :], axis=0)
    out_norm = lax.rsqrt(jnp.maximum(out_deg, 1.0))
    innorm_ref[...] = lax.rsqrt(jnp.maximum(in_deg, 1.0))
    m_ref[...] = emb_ref[...] * out_norm[:, None]


def _norm_call(emb, degs):
    return pl.pallas_call(
        _norm_body,
        out_shape=[
            jax.ShapeDtypeStruct((N, D), jnp.float32),
            jax.ShapeDtypeStruct((N,), jnp.float32),
        ],
    )(emb, degs)


@functools.partial(
    pl.kernel,
    out_type=jax.ShapeDtypeStruct((NC, N, D), jnp.float32),
    mesh=_mesh,
    scratch_types=[
        pltpu.VMEM_SHARED((N, D), jnp.float32),
        pltpu.VMEM((NCHUNK, C), jnp.int32),
        pltpu.VMEM((NCHUNK, C), jnp.int32),
        pltpu.VMEM((C, D), jnp.float32),
        pltpu.VMEM((C, D), jnp.float32),
        pltpu.VMEM((C, D), jnp.float32),
        pltpu.SemaphoreType.DMA,
        pltpu.SemaphoreType.DMA,
        pltpu.SemaphoreType.DMA,
    ],
    compiler_params=_sc_params,
)
def _scatter_kernel(
    m_hbm, src_hbm, dst_hbm, part_hbm,
    acc, src_all, dst_all, rows0, rows1, rows2, sem0, sem1, sem2,
):
    c = lax.axis_index("c")
    s = lax.axis_index("s")
    wid = c * NS + s
    zeros = jnp.zeros((L,), jnp.float32)

    pltpu.sync_copy(src_hbm.at[pl.ds(wid * NCHUNK, NCHUNK)], src_all)
    pltpu.sync_copy(dst_hbm.at[pl.ds(wid * NCHUNK, NCHUNK)], dst_all)

    def zb_body(i, _):
        def zb_inner(j, _):
            rows0[i, pl.ds(j * L, L)] = zeros
            return 0

        lax.fori_loop(0, D // L, zb_inner, 0)
        return 0

    lax.fori_loop(0, C, zb_body, 0)

    for q in range((NCHUNK + NS - 1) // NS):
        t = s + NS * q

        @pl.when(t < NCHUNK)
        def _():
            pltpu.async_copy(rows0, acc.at[pl.ds(t * C, C)], sem2)

    for q in range((NCHUNK + NS - 1) // NS):
        t = s + NS * q

        @pl.when(t < NCHUNK)
        def _():
            pltpu.make_async_copy(rows0, acc.at[pl.ds(0, C)], sem2).wait()

    plsc.subcore_barrier()

    bufs = (rows0, rows1, rows2)
    sems = (sem0, sem1, sem2)
    NB = 3

    def gstart(k, b):
        pltpu.async_copy(m_hbm.at[src_all.at[k]], bufs[b], sems[b])

    def gwait(b):
        pltpu.make_async_copy(m_hbm.at[src_all.at[0]], bufs[b], sems[b]).wait()

    def scat(k, b):
        pltpu.sync_copy(bufs[b], acc.at[dst_all.at[k]], add=True)

    gstart(0, 0)
    gstart(1, 1)

    def ring_body(q, _):
        for r in range(NB):
            k = NB * q + r
            gwait(r)

            @pl.when(k + NB - 1 < NCHUNK)
            def _():
                gstart(k + NB - 1, (r + NB - 1) % NB)

            scat(k, r)
        return 0

    lax.fori_loop(0, NCHUNK // NB, ring_body, 0)
    for k in range((NCHUNK // NB) * NB, NCHUNK):
        gwait(k % NB)
        scat(k, k % NB)
    plsc.subcore_barrier()

    NQ = (NCHUNK + NS - 1) // NS
    for q in range(NQ):
        t = s + NS * q
        buf = bufs[q % 2]
        sem = sems[q % 2]

        @pl.when(t < NCHUNK)
        def _(t=t, buf=buf, sem=sem, q=q):
            if q >= 2:
                pltpu.make_async_copy(
                    buf, part_hbm.at[c, pl.ds(0, C)], sem
                ).wait()
            pltpu.sync_copy(acc.at[pl.ds(t * C, C)], buf)
            pltpu.async_copy(buf, part_hbm.at[c, pl.ds(t * C, C)], sem)

    for q in range(max(NQ - 2, 0), NQ):
        t = s + NS * q

        @pl.when(t < NCHUNK)
        def _(buf=bufs[q % 2], sem=sems[q % 2]):
            pltpu.make_async_copy(buf, part_hbm.at[c, pl.ds(0, C)], sem).wait()


def _final_body(part_ref, innorm_ref, out_ref):
    agg = part_ref[0] + part_ref[1]
    out_ref[...] = agg * (innorm_ref[...] * ALPHA)[:, None]


def _final_call(parts, in_norm):
    return pl.pallas_call(
        _final_body,
        out_shape=jax.ShapeDtypeStruct((N, D), jnp.float32),
    )(parts, in_norm)


def kernel(emb, edge_index):
    src = edge_index[0]
    dst = edge_index[1]
    degs = _deg_kernel(src, dst)
    m, in_norm = _norm_call(emb, degs)
    src2d = src.reshape(E // C, C)
    dst2d = dst.reshape(E // C, C)
    parts = _scatter_kernel(m, src2d, dst2d)
    return _final_call(parts, in_norm)

# --- scband reference (transcript-rebuilt; emitter-appended) ---
"""Pipeline reference for scband-light-gcn-49675591745621 (READ-ONLY COPY).

The authoritative reference and input builder live on the scoring server;
editing this copy changes nothing except your own understanding.
"""

import jax, jax.numpy as jnp
import numpy as np

NUM_LAYERS = 3
N_NODES = 10000
N_EDGES = 320000
EMB_DIM = 128


def setup_inputs(seed: int = 0) -> dict:
    key = jax.random.key(seed)
    k1, k2 = jax.random.split(key)
    emb = jax.random.normal(k1, (N_NODES, EMB_DIM), dtype=jnp.float32) * 0.1
    # g represented as edge_index [2, E]: row 0 = src, row 1 = dst
    edge_index = jax.random.randint(k2, (2, N_EDGES), 0, N_NODES, dtype=jnp.int32)
    return {"emb": emb, "edge_index": edge_index}


def reference(emb, edge_index):
    # LightGCN with DGL GraphConv(norm='both', weight=False, bias=False):
    # out = D_in^{-1/2} A D_out^{-1/2} x  (degrees clamped to min 1, like DGL)
    N = emb.shape[0]
    src = edge_index[0]
    dst = edge_index[1]
    ones = jnp.ones((src.shape[0],), dtype=jnp.float32)
    out_deg = jnp.zeros((N,), dtype=jnp.float32).at[src].add(ones)
    in_deg = jnp.zeros((N,), dtype=jnp.float32).at[dst].add(ones)
    out_norm = jax.lax.rsqrt(jnp.maximum(out_deg, 1.0))
    in_norm = jax.lax.rsqrt(jnp.maximum(in_deg, 1.0))

    def conv(x):
        m = x * out_norm[:, None]            # src-side normalization
        gathered = jnp.take(m, src, axis=0)  # gather messages along edges
        agg = jnp.zeros_like(x).at[dst].add(gathered)  # scatter-add to dst
        return agg * in_norm[:, None]        # dst-side normalization

    # NOTE: faithful to original code — each layer applies conv to the ORIGINAL emb
    emb_lst = jnp.stack([conv(emb) for _ in range(NUM_LAYERS)])
    alpha = jnp.stack([
        jnp.full(emb_lst.shape[1:], 1.0 / (1 + k), dtype=jnp.float32)
        for k in range(NUM_LAYERS)
    ])
    x = (emb_lst * alpha).sum(axis=0)
    return x

if __name__ == "__main__":
    import jax
    _d = setup_inputs()
    print(jax.jit(kernel)(*tuple(_d.values())))

</pallas_src>

<mosaic_0001>
#map = affine_map<(d0, d1) -> (0)>
#map1 = affine_map<(d0, d1) -> (0, 0, 0)>
module attributes {stable_mosaic.version = 14 : i64} {
  func.func @_deg_kernel(%arg0: i32, %arg1: i32, %arg2: memref<320000xi32, #tpu.memory_space<hbm>>, %arg3: memref<320000xi32, #tpu.memory_space<hbm>>, %arg4: memref<32x2x10000xf32, #tpu.memory_space<hbm>>, %arg5: memref<10000xi32, #tpu.memory_space<vmem>>, %arg6: memref<10000xi32, #tpu.memory_space<vmem>>, %arg7: memref<10000xf32, #tpu.memory_space<vmem>>, %arg8: memref<10000xf32, #tpu.memory_space<vmem>>, %arg9: memref<!tpu.dma_semaphore, #tpu.memory_space<semaphore_mem>>, %arg10: memref<!tpu.dma_semaphore, #tpu.memory_space<semaphore_mem>>) attributes {dimension_semantics = [#tpu.dimension_semantics<core_parallel>, #tpu.dimension_semantics<subcore_parallel>], iteration_bounds = array<i64: 2, 16>, scalar_prefetch = 0 : i64, scratch_operands = 6 : i64, tpu.core_type = #tpu.core_type<sc_vector_subcore>, window_params = [{transform_indices = #map}, {transform_indices = #map}, {transform_indices = #map1}]} {
    %mul3A = arith.constant 16 : i32
    %mul3A_0 = arith.muli %arg0, %mul3A : i32
    %add3A = arith.addi %mul3A_0, %arg1 : i32
    %mul3A_1 = arith.constant 10000 : i32
    %mul3A_2 = arith.muli %add3A, %mul3A_1 : i32
    %broadcast_in_dim3A = arith.constant 0.000000e+00 : f32
    %broadcast_in_dim3A_3 = vector.broadcast %broadcast_in_dim3A : f32 to vector<16xf32>
    %broadcast_in_dim3A_4 = arith.constant 1.000000e+00 : f32
    %broadcast_in_dim3A_5 = vector.broadcast %broadcast_in_dim3A_4 : f32 to vector<16xf32>
    %dma_start3A = tpu.memref_slice %arg2[%mul3A_2] : memref<320000xi32, #tpu.memory_space<hbm>> -> memref<10000xi32, #tpu.memory_space<hbm>>
    %dma_start3A_6 = tpu.memref_slice %arg2[%mul3A_2] : memref<320000xi32, #tpu.memory_space<hbm>> -> memref<10000xi32, #tpu.memory_space<hbm>>
    tpu.enqueue_dma source(%dma_start3A_6 : memref<10000xi32, #tpu.memory_space<hbm>>) target(%arg5 : memref<10000xi32, #tpu.memory_space<vmem>>) target_semaphore(%arg9 : memref<!tpu.dma_semaphore, #tpu.memory_space<semaphore_mem>>)
    %dma_start3A_7 = tpu.memref_slice %arg3[%mul3A_2] : memref<320000xi32, #tpu.memory_space<hbm>> -> memref<10000xi32, #tpu.memory_space<hbm>>
    %dma_start3A_8 = tpu.memref_slice %arg3[%mul3A_2] : memref<320000xi32, #tpu.memory_space<hbm>> -> memref<10000xi32, #tpu.memory_space<hbm>>
    tpu.enqueue_dma source(%dma_start3A_8 : memref<10000xi32, #tpu.memory_space<hbm>>) target(%arg6 : memref<10000xi32, #tpu.memory_space<vmem>>) target_semaphore(%arg10 : memref<!tpu.dma_semaphore, #tpu.memory_space<semaphore_mem>>)
    %scan3A = arith.constant 0 : i32
    %scan3A_9 = arith.constant 0 : i32
    %scan3A_10 = arith.constant 125 : i32
    %scan3A_11 = arith.addi %scan3A_9, %scan3A_10 : i32
    %scan3A_12 = arith.constant 1 : i32
    %scan3A_13 = scf.for %scan3A_60 = %scan3A_9 to %scan3A_11 step %scan3A_12 iter_args(%scan3A_61 = %scan3A) -> (i32)  : i32 {
      %mul3A_62 = arith.constant 5 : i32
      %mul3A_63 = arith.muli %mul3A_62, %scan3A_60 : i32
      %add3A_64 = arith.constant 0 : i32
      %add3A_65 = arith.addi %mul3A_63, %add3A_64 : i32
      %mul3A_66 = arith.constant 16 : i32
      %mul3A_67 = arith.muli %add3A_65, %mul3A_66 : i32
      %swap3A = arith.index_cast %mul3A_67 : i32 to index
      %swap3A_68 = tpu.vector_load %arg7[%swap3A] {strides = array<i32>} : memref<10000xf32, #tpu.memory_space<vmem>>, vector<16xf32>,
      tpu.vector_store %arg7[%swap3A], %broadcast_in_dim3A_3 {strides = array<i32>} : memref<10000xf32, #tpu.memory_space<vmem>>, vector<16xf32>,
      %mul3A_69 = arith.constant 5 : i32
      %mul3A_70 = arith.muli %mul3A_69, %scan3A_60 : i32
      %add3A_71 = arith.constant 0 : i32
      %add3A_72 = arith.addi %mul3A_70, %add3A_71 : i32
      %mul3A_73 = arith.constant 16 : i32
      %mul3A_74 = arith.muli %add3A_72, %mul3A_73 : i32
      %swap3A_75 = arith.index_cast %mul3A_74 : i32 to index
      %swap3A_76 = tpu.vector_load %arg8[%swap3A_75] {strides = array<i32>} : memref<10000xf32, #tpu.memory_space<vmem>>, vector<16xf32>,
      tpu.vector_store %arg8[%swap3A_75], %broadcast_in_dim3A_3 {strides = array<i32>} : memref<10000xf32, #tpu.memory_space<vmem>>, vector<16xf32>,
      %mul3A_77 = arith.constant 5 : i32
      %mul3A_78 = arith.muli %mul3A_77, %scan3A_60 : i32
      %add3A_79 = arith.constant 1 : i32
      %add3A_80 = arith.addi %mul3A_78, %add3A_79 : i32
      %mul3A_81 = arith.constant 16 : i32
      %mul3A_82 = arith.muli %add3A_80, %mul3A_81 : i32
      %swap3A_83 = arith.index_cast %mul3A_82 : i32 to index
      %swap3A_84 = tpu.vector_load %arg7[%swap3A_83] {strides = array<i32>} : memref<10000xf32, #tpu.memory_space<vmem>>, vector<16xf32>,
      tpu.vector_store %arg7[%swap3A_83], %broadcast_in_dim3A_3 {strides = array<i32>} : memref<10000xf32, #tpu.memory_space<vmem>>, vector<16xf32>,
      %mul3A_85 = arith.constant 5 : i32
      %mul3A_86 = arith.muli %mul3A_85, %scan3A_60 : i32
      %add3A_87 = arith.constant 1 : i32
      %add3A_88 = arith.addi %mul3A_86, %add3A_87 : i32
      %mul3A_89 = arith.constant 16 : i32
      %mul3A_90 = arith.muli %add3A_88, %mul3A_89 : i32
      %swap3A_91 = arith.index_cast %mul3A_90 : i32 to index
      %swap3A_92 = tpu.vector_load %arg8[%swap3A_91] {strides = array<i32>} : memref<10000xf32, #tpu.memory_space<vmem>>, vector<16xf32>,
      tpu.vector_store %arg8[%swap3A_91], %broadcast_in_dim3A_3 {strides = array<i32>} : memref<10000xf32, #tpu.memory_space<vmem>>, vector<16xf32>,
      %mul3A_93 = arith.constant 5 : i32
      %mul3A_94 = arith.muli %mul3A_93, %scan3A_60 : i32
      %add3A_95 = arith.constant 2 : i32
      %add3A_96 = arith.addi %mul3A_94, %add3A_95 : i32
      %mul3A_97 = arith.constant 16 : i32
      %mul3A_98 = arith.muli %add3A_96, %mul3A_97 : i32
      %swap3A_99 = arith.index_cast %mul3A_98 : i32 to index
      %swap3A_100 = tpu.vector_load %arg7[%swap3A_99] {strides = array<i32>} : memref<10000xf32, #tpu.memory_space<vmem>>, vector<16xf32>,
      tpu.vector_store %arg7[%swap3A_99], %broadcast_in_dim3A_3 {strides = array<i32>} : memref<10000xf32, #tpu.memory_space<vmem>>, vector<16xf32>,
      %mul3A_101 = arith.constant 5 : i32
      %mul3A_102 = arith.muli %mul3A_101, %scan3A_60 : i32
      %add3A_103 = arith.constant 2 : i32
      %add3A_104 = arith.addi %mul3A_102, %add3A_103 : i32
      %mul3A_105 = arith.constant 16 : i32
      %mul3A_106 = arith.muli %add3A_104, %mul3A_105 : i32
      %swap3A_107 = arith.index_cast %mul3A_106 : i32 to index
      %swap3A_108 = tpu.vector_load %arg8[%swap3A_107] {strides = array<i32>} : memref<10000xf32, #tpu.memory_space<vmem>>, vector<16xf32>,
      tpu.vector_store %arg8[%swap3A_107], %broadcast_in_dim3A_3 {strides = array<i32>} : memref<10000xf32, #tpu.memory_space<vmem>>, vector<16xf32>,
      %mul3A_109 = arith.constant 5 : i32
      %mul3A_110 = arith.muli %mul3A_109, %scan3A_60 : i32
      %add3A_111 = arith.constant 3 : i32
      %add3A_112 = arith.addi %mul3A_110, %add3A_111 : i32
      %mul3A_113 = arith.constant 16 : i32
      %mul3A_114 = arith.muli %add3A_112, %mul3A_113 : i32
      %swap3A_115 = arith.index_cast %mul3A_114 : i32 to index
      %swap3A_116 = tpu.vector_load %arg7[%swap3A_115] {strides = array<i32>} : memref<10000xf32, #tpu.memory_space<vmem>>, vector<16xf32>,
      tpu.vector_store %arg7[%swap3A_115], %broadcast_in_dim3A_3 {strides = array<i32>} : memref<10000xf32, #tpu.memory_space<vmem>>, vector<16xf32>,
      %mul3A_117 = arith.constant 5 : i32
      %mul3A_118 = arith.muli %mul3A_117, %scan3A_60 : i32
      %add3A_119 = arith.constant 3 : i32
      %add3A_120 = arith.addi %mul3A_118, %add3A_119 : i32
      %mul3A_121 = arith.constant 16 : i32
      %mul3A_122 = arith.muli %add3A_120, %mul3A_121 : i32
      %swap3A_123 = arith.index_cast %mul3A_122 : i32 to index
      %swap3A_124 = tpu.vector_load %arg8[%swap3A_123] {strides = array<i32>} : memref<10000xf32, #tpu.memory_space<vmem>>, vector<16xf32>,
      tpu.vector_store %arg8[%swap3A_123], %broadcast_in_dim3A_3 {strides = array<i32>} : memref<10000xf32, #tpu.memory_space<vmem>>, vector<16xf32>,
      %mul3A_125 = arith.constant 5 : i32
      %mul3A_126 = arith.muli %mul3A_125, %scan3A_60 : i32
      %add3A_127 = arith.constant 4 : i32
      %add3A_128 = arith.addi %mul3A_126, %add3A_127 : i32
      %mul3A_129 = arith.constant 16 : i32
      %mul3A_130 = arith.muli %add3A_128, %mul3A_129 : i32
      %swap3A_131 = arith.index_cast %mul3A_130 : i32 to index
      %swap3A_132 = tpu.vector_load %arg7[%swap3A_131] {strides = array<i32>} : memref<10000xf32, #tpu.memory_space<vmem>>, vector<16xf32>,
      tpu.vector_store %arg7[%swap3A_131], %broadcast_in_dim3A_3 {strides = array<i32>} : memref<10000xf32, #tpu.memory_space<vmem>>, vector<16xf32>,
      %mul3A_133 = arith.constant 5 : i32
      %mul3A_134 = arith.muli %mul3A_133, %scan3A_60 : i32
      %add3A_135 = arith.constant 4 : i32
      %add3A_136 = arith.addi %mul3A_134, %add3A_135 : i32
      %mul3A_137 = arith.constant 16 : i32
      %mul3A_138 = arith.muli %add3A_136, %mul3A_137 : i32
      %swap3A_139 = arith.index_cast %mul3A_138 : i32 to index
      %swap3A_140 = tpu.vector_load %arg8[%swap3A_139] {strides = array<i32>} : memref<10000xf32, #tpu.memory_space<vmem>>, vector<16xf32>,
      tpu.vector_store %arg8[%swap3A_139], %broadcast_in_dim3A_3 {strides = array<i32>} : memref<10000xf32, #tpu.memory_space<vmem>>, vector<16xf32>,
      %scan3A_141 = arith.constant 0 : i32
      scf.yield %scan3A_141 : i32
    }
    %scan3A_14 = arith.constant 125 : i32
    %dma_wait3A = tpu.memref_slice %arg2[%mul3A_2] : memref<320000xi32, #tpu.memory_space<hbm>> -> memref<10000xi32, #tpu.memory_space<hbm>>
    %dma_wait3A_15 = tpu.memref_slice %arg2[%mul3A_2] : memref<320000xi32, #tpu.memory_space<hbm>> -> memref<10000xi32, #tpu.memory_space<hbm>>
    tpu.wait_dma2 semaphore(%arg9 : memref<!tpu.dma_semaphore, #tpu.memory_space<semaphore_mem>>) src(%dma_wait3A_15 : memref<10000xi32, #tpu.memory_space<hbm>>) dst(%arg5 : memref<10000xi32, #tpu.memory_space<vmem>>)
    %scan3A_16 = arith.constant 0 : i32
    %scan3A_17 = arith.constant 0 : i32
    %scan3A_18 = arith.constant 125 : i32
    %scan3A_19 = arith.addi %scan3A_17, %scan3A_18 : i32
    %scan3A_20 = arith.constant 1 : i32
    %scan3A_21 = scf.for %scan3A_60 = %scan3A_17 to %scan3A_19 step %scan3A_20 iter_args(%scan3A_61 = %scan3A_16) -> (i32)  : i32 {
      %mul3A_62 = arith.constant 5 : i32
      %mul3A_63 = arith.muli %mul3A_62, %scan3A_60 : i32
      %add3A_64 = arith.constant 0 : i32
      %add3A_65 = arith.addi %mul3A_63, %add3A_64 : i32
      %mul3A_66 = arith.constant 16 : i32
      %mul3A_67 = arith.muli %add3A_65, %mul3A_66 : i32
      %get3A = arith.index_cast %mul3A_67 : i32 to index
      %get3A_68 = tpu.vector_load %arg5[%get3A] {strides = array<i32>} : memref<10000xi32, #tpu.memory_space<vmem>>, vector<16xi32>,
      tpu.vector_store_idx %arg7[%get3A_68], %broadcast_in_dim3A_5 {add = true} : memref<10000xf32, #tpu.memory_space<vmem>>[vector<16xi32>], vector<16xf32>,
      %mul3A_69 = arith.constant 5 : i32
      %mul3A_70 = arith.muli %mul3A_69, %scan3A_60 : i32
      %add3A_71 = arith.constant 1 : i32
      %add3A_72 = arith.addi %mul3A_70, %add3A_71 : i32
      %mul3A_73 = arith.constant 16 : i32
      %mul3A_74 = arith.muli %add3A_72, %mul3A_73 : i32
      %get3A_75 = arith.index_cast %mul3A_74 : i32 to index
      %get3A_76 = tpu.vector_load %arg5[%get3A_75] {strides = array<i32>} : memref<10000xi32, #tpu.memory_space<vmem>>, vector<16xi32>,
      tpu.vector_store_idx %arg7[%get3A_76], %broadcast_in_dim3A_5 {add = true} : memref<10000xf32, #tpu.memory_space<vmem>>[vector<16xi32>], vector<16xf32>,
      %mul3A_77 = arith.constant 5 : i32
      %mul3A_78 = arith.muli %mul3A_77, %scan3A_60 : i32
      %add3A_79 = arith.constant 2 : i32
      %add3A_80 = arith.addi %mul3A_78, %add3A_79 : i32
      %mul3A_81 = arith.constant 16 : i32
      %mul3A_82 = arith.muli %add3A_80, %mul3A_81 : i32
      %get3A_83 = arith.index_cast %mul3A_82 : i32 to index
      %get3A_84 = tpu.vector_load %arg5[%get3A_83] {strides = array<i32>} : memref<10000xi32, #tpu.memory_space<vmem>>, vector<16xi32>,
      tpu.vector_store_idx %arg7[%get3A_84], %broadcast_in_dim3A_5 {add = true} : memref<10000xf32, #tpu.memory_space<vmem>>[vector<16xi32>], vector<16xf32>,
      %mul3A_85 = arith.constant 5 : i32
      %mul3A_86 = arith.muli %mul3A_85, %scan3A_60 : i32
      %add3A_87 = arith.constant 3 : i32
      %add3A_88 = arith.addi %mul3A_86, %add3A_87 : i32
      %mul3A_89 = arith.constant 16 : i32
      %mul3A_90 = arith.muli %add3A_88, %mul3A_89 : i32
      %get3A_91 = arith.index_cast %mul3A_90 : i32 to index
      %get3A_92 = tpu.vector_load %arg5[%get3A_91] {strides = array<i32>} : memref<10000xi32, #tpu.memory_space<vmem>>, vector<16xi32>,
      tpu.vector_store_idx %arg7[%get3A_92], %broadcast_in_dim3A_5 {add = true} : memref<10000xf32, #tpu.memory_space<vmem>>[vector<16xi32>], vector<16xf32>,
      %mul3A_93 = arith.constant 5 : i32
      %mul3A_94 = arith.muli %mul3A_93, %scan3A_60 : i32
      %add3A_95 = arith.constant 4 : i32
      %add3A_96 = arith.addi %mul3A_94, %add3A_95 : i32
      %mul3A_97 = arith.constant 16 : i32
      %mul3A_98 = arith.muli %add3A_96, %mul3A_97 : i32
      %get3A_99 = arith.index_cast %mul3A_98 : i32 to index
      %get3A_100 = tpu.vector_load %arg5[%get3A_99] {strides = array<i32>} : memref<10000xi32, #tpu.memory_space<vmem>>, vector<16xi32>,
      tpu.vector_store_idx %arg7[%get3A_100], %broadcast_in_dim3A_5 {add = true} : memref<10000xf32, #tpu.memory_space<vmem>>[vector<16xi32>], vector<16xf32>,
      %scan3A_101 = arith.constant 0 : i32
      scf.yield %scan3A_101 : i32
    }
    %scan3A_22 = arith.constant 125 : i32
    %dma_wait3A_23 = tpu.memref_slice %arg3[%mul3A_2] : memref<320000xi32, #tpu.memory_space<hbm>> -> memref<10000xi32, #tpu.memory_space<hbm>>
    %dma_wait3A_24 = tpu.memref_slice %arg3[%mul3A_2] : memref<320000xi32, #tpu.memory_space<hbm>> -> memref<10000xi32, #tpu.memory_space<hbm>>
    tpu.wait_dma2 semaphore(%arg10 : memref<!tpu.dma_semaphore, #tpu.memory_space<semaphore_mem>>) src(%dma_wait3A_24 : memref<10000xi32, #tpu.memory_space<hbm>>) dst(%arg6 : memref<10000xi32, #tpu.memory_space<vmem>>)
    %scan3A_25 = arith.constant 0 : i32
    %scan3A_26 = arith.constant 0 : i32
    %scan3A_27 = arith.constant 125 : i32
    %scan3A_28 = arith.addi %scan3A_26, %scan3A_27 : i32
    %scan3A_29 = arith.constant 1 : i32
    %scan3A_30 = scf.for %scan3A_60 = %scan3A_26 to %scan3A_28 step %scan3A_29 iter_args(%scan3A_61 = %scan3A_25) -> (i32)  : i32 {
      %mul3A_62 = arith.constant 5 : i32
      %mul3A_63 = arith.muli %mul3A_62, %scan3A_60 : i32
      %add3A_64 = arith.constant 0 : i32
      %add3A_65 = arith.addi %mul3A_63, %add3A_64 : i32
      %mul3A_66 = arith.constant 16 : i32
      %mul3A_67 = arith.muli %add3A_65, %mul3A_66 : i32
      %get3A = arith.index_cast %mul3A_67 : i32 to index
      %get3A_68 = tpu.vector_load %arg6[%get3A] {strides = array<i32>} : memref<10000xi32, #tpu.memory_space<vmem>>, vector<16xi32>,
      tpu.vector_store_idx %arg8[%get3A_68], %broadcast_in_dim3A_5 {add = true} : memref<10000xf32, #tpu.memory_space<vmem>>[vector<16xi32>], vector<16xf32>,
      %mul3A_69 = arith.constant 5 : i32
      %mul3A_70 = arith.muli %mul3A_69, %scan3A_60 : i32
      %add3A_71 = arith.constant 1 : i32
      %add3A_72 = arith.addi %mul3A_70, %add3A_71 : i32
      %mul3A_73 = arith.constant 16 : i32
      %mul3A_74 = arith.muli %add3A_72, %mul3A_73 : i32
      %get3A_75 = arith.index_cast %mul3A_74 : i32 to index
      %get3A_76 = tpu.vector_load %arg6[%get3A_75] {strides = array<i32>} : memref<10000xi32, #tpu.memory_space<vmem>>, vector<16xi32>,
      tpu.vector_store_idx %arg8[%get3A_76], %broadcast_in_dim3A_5 {add = true} : memref<10000xf32, #tpu.memory_space<vmem>>[vector<16xi32>], vector<16xf32>,
      %mul3A_77 = arith.constant 5 : i32
      %mul3A_78 = arith.muli %mul3A_77, %scan3A_60 : i32
      %add3A_79 = arith.constant 2 : i32
      %add3A_80 = arith.addi %mul3A_78, %add3A_79 : i32
      %mul3A_81 = arith.constant 16 : i32
      %mul3A_82 = arith.muli %add3A_80, %mul3A_81 : i32
      %get3A_83 = arith.index_cast %mul3A_82 : i32 to index
      %get3A_84 = tpu.vector_load %arg6[%get3A_83] {strides = array<i32>} : memref<10000xi32, #tpu.memory_space<vmem>>, vector<16xi32>,
      tpu.vector_store_idx %arg8[%get3A_84], %broadcast_in_dim3A_5 {add = true} : memref<10000xf32, #tpu.memory_space<vmem>>[vector<16xi32>], vector<16xf32>,
      %mul3A_85 = arith.constant 5 : i32
      %mul3A_86 = arith.muli %mul3A_85, %scan3A_60 : i32
      %add3A_87 = arith.constant 3 : i32
      %add3A_88 = arith.addi %mul3A_86, %add3A_87 : i32
      %mul3A_89 = arith.constant 16 : i32
      %mul3A_90 = arith.muli %add3A_88, %mul3A_89 : i32
      %get3A_91 = arith.index_cast %mul3A_90 : i32 to index
      %get3A_92 = tpu.vector_load %arg6[%get3A_91] {strides = array<i32>} : memref<10000xi32, #tpu.memory_space<vmem>>, vector<16xi32>,
      tpu.vector_store_idx %arg8[%get3A_92], %broadcast_in_dim3A_5 {add = true} : memref<10000xf32, #tpu.memory_space<vmem>>[vector<16xi32>], vector<16xf32>,
      %mul3A_93 = arith.constant 5 : i32
      %mul3A_94 = arith.muli %mul3A_93, %scan3A_60 : i32
      %add3A_95 = arith.constant 4 : i32
      %add3A_96 = arith.addi %mul3A_94, %add3A_95 : i32
      %mul3A_97 = arith.constant 16 : i32
      %mul3A_98 = arith.muli %add3A_96, %mul3A_97 : i32
      %get3A_99 = arith.index_cast %mul3A_98 : i32 to index
      %get3A_100 = tpu.vector_load %arg6[%get3A_99] {strides = array<i32>} : memref<10000xi32, #tpu.memory_space<vmem>>, vector<16xi32>,
      tpu.vector_store_idx %arg8[%get3A_100], %broadcast_in_dim3A_5 {add = true} : memref<10000xf32, #tpu.memory_space<vmem>>[vector<16xi32>], vector<16xf32>,
      %scan3A_101 = arith.constant 0 : i32
      scf.yield %scan3A_101 : i32
    }
    %scan3A_31 = arith.constant 125 : i32
    %dma_start3A_32 = arith.constant 0 : i32
    %dma_start3A_33 = arith.constant 0 : i32
    %dma_start3A_34 = tpu.memref_slice %arg4[%add3A, %dma_start3A_32, %dma_start3A_33] : memref<32x2x10000xf32, #tpu.memory_space<hbm>> -> memref<1x1x10000xf32, #tpu.memory_space<hbm>>
    %dma_start3A_35 = tpu.memref_squeeze %dma_start3A_34 : memref<1x1x10000xf32, #tpu.memory_space<hbm>> -> memref<10000xf32, #tpu.memory_space<hbm>>
    %dma_start3A_36 = arith.constant 0 : i32
    %dma_start3A_37 = tpu.memref_slice %arg4[%add3A, %dma_start3A_32, %dma_start3A_36] : memref<32x2x10000xf32, #tpu.memory_space<hbm>> -> memref<1x1x10000xf32, #tpu.memory_space<hbm>>
    %dma_start3A_38 = tpu.memref_squeeze %dma_start3A_37 : memref<1x1x10000xf32, #tpu.memory_space<hbm>> -> memref<10000xf32, #tpu.memory_space<hbm>>
    tpu.enqueue_dma source(%arg7 : memref<10000xf32, #tpu.memory_space<vmem>>) target(%dma_start3A_38 : memref<10000xf32, #tpu.memory_space<hbm>>) target_semaphore(%arg9 : memref<!tpu.dma_semaphore, #tpu.memory_space<semaphore_mem>>)
    %dma_start3A_39 = arith.constant 1 : i32
    %dma_start3A_40 = arith.constant 0 : i32
    %dma_start3A_41 = tpu.memref_slice %arg4[%add3A, %dma_start3A_39, %dma_start3A_40] : memref<32x2x10000xf32, #tpu.memory_space<hbm>> -> memref<1x1x10000xf32, #tpu.memory_space<hbm>>
    %dma_start3A_42 = tpu.memref_squeeze %dma_start3A_41 : memref<1x1x10000xf32, #tpu.memory_space<hbm>> -> memref<10000xf32, #tpu.memory_space<hbm>>
    %dma_start3A_43 = arith.constant 0 : i32
    %dma_start3A_44 = tpu.memref_slice %arg4[%add3A, %dma_start3A_39, %dma_start3A_43] : memref<32x2x10000xf32, #tpu.memory_space<hbm>> -> memref<1x1x10000xf32, #tpu.memory_space<hbm>>
    %dma_start3A_45 = tpu.memref_squeeze %dma_start3A_44 : memref<1x1x10000xf32, #tpu.memory_space<hbm>> -> memref<10000xf32, #tpu.memory_space<hbm>>
    tpu.enqueue_dma source(%arg8 : memref<10000xf32, #tpu.memory_space<vmem>>) target(%dma_start3A_45 : memref<10000xf32, #tpu.memory_space<hbm>>) target_semaphore(%arg10 : memref<!tpu.dma_semaphore, #tpu.memory_space<semaphore_mem>>)
    %dma_wait3A_46 = arith.constant 0 : i32
    %dma_wait3A_47 = arith.constant 0 : i32
    %dma_wait3A_48 = tpu.memref_slice %arg4[%add3A, %dma_wait3A_46, %dma_wait3A_47] : memref<32x2x10000xf32, #tpu.memory_space<hbm>> -> memref<1x1x10000xf32, #tpu.memory_space<hbm>>
    %dma_wait3A_49 = tpu.memref_squeeze %dma_wait3A_48 : memref<1x1x10000xf32, #tpu.memory_space<hbm>> -> memref<10000xf32, #tpu.memory_space<hbm>>
    %dma_wait3A_50 = arith.constant 0 : i32
    %dma_wait3A_51 = tpu.memref_slice %arg4[%add3A, %dma_wait3A_46, %dma_wait3A_50] : memref<32x2x10000xf32, #tpu.memory_space<hbm>> -> memref<1x1x10000xf32, #tpu.memory_space<hbm>>
    %dma_wait3A_52 = tpu.memref_squeeze %dma_wait3A_51 : memref<1x1x10000xf32, #tpu.memory_space<hbm>> -> memref<10000xf32, #tpu.memory_space<hbm>>
    tpu.wait_dma2 semaphore(%arg9 : memref<!tpu.dma_semaphore, #tpu.memory_space<semaphore_mem>>) src(%arg7 : memref<10000xf32, #tpu.memory_space<vmem>>) dst(%dma_wait3A_52 : memref<10000xf32, #tpu.memory_space<hbm>>)
    %dma_wait3A_53 = arith.constant 1 : i32
    %dma_wait3A_54 = arith.constant 0 : i32
    %dma_wait3A_55 = tpu.memref_slice %arg4[%add3A, %dma_wait3A_53, %dma_wait3A_54] : memref<32x2x10000xf32, #tpu.memory_space<hbm>> -> memref<1x1x10000xf32, #tpu.memory_space<hbm>>
    %dma_wait3A_56 = tpu.memref_squeeze %dma_wait3A_55 : memref<1x1x10000xf32, #tpu.memory_space<hbm>> -> memref<10000xf32, #tpu.memory_space<hbm>>
    %dma_wait3A_57 = arith.constant 0 : i32
    %dma_wait3A_58 = tpu.memref_slice %arg4[%add3A, %dma_wait3A_53, %dma_wait3A_57] : memref<32x2x10000xf32, #tpu.memory_space<hbm>> -> memref<1x1x10000xf32, #tpu.memory_space<hbm>>
    %dma_wait3A_59 = tpu.memref_squeeze %dma_wait3A_58 : memref<1x1x10000xf32, #tpu.memory_space<hbm>> -> memref<10000xf32, #tpu.memory_space<hbm>>
    tpu.wait_dma2 semaphore(%arg10 : memref<!tpu.dma_semaphore, #tpu.memory_space<semaphore_mem>>) src(%arg8 : memref<10000xf32, #tpu.memory_space<vmem>>) dst(%dma_wait3A_59 : memref<10000xf32, #tpu.memory_space<hbm>>)
    return
  }
}

#map = affine_map<(d0, d1) -> (0, 0)>
#map1 = affine_map<(d0, d1) -> (0, 0, 0)>
module attributes {stable_mosaic.version = 14 : i64} {
  func.func @_scatter_kernel(%arg0: i32, %arg1: i32, %arg2: memref<10000x128xf32, #tpu.memory_space<hbm>>, %arg3: memref<4000x80xi32, #tpu.memory_space<hbm>>, %arg4: memref<4000x80xi32, #tpu.memory_space<hbm>>, %arg5: memref<2x10000x128xf32, #tpu.memory_space<hbm>>, %arg6: memref<10000x128xf32, #tpu.memory_space<vmem_shared>>, %arg7: memref<125x80xi32, #tpu.memory_space<vmem>>, %arg8: memref<125x80xi32, #tpu.memory_space<vmem>>, %arg9: memref<80x128xf32, #tpu.memory_space<vmem>>, %arg10: memref<80x128xf32, #tpu.memory_space<vmem>>, %arg11: memref<80x128xf32, #tpu.memory_space<vmem>>, %arg12: memref<!tpu.dma_semaphore, #tpu.memory_space<semaphore_mem>>, %arg13: memref<!tpu.dma_semaphore, #tpu.memory_space<semaphore_mem>>, %arg14: memref<!tpu.dma_semaphore, #tpu.memory_space<semaphore_mem>>) attributes {dimension_semantics = [#tpu.dimension_semantics<core_parallel>, #tpu.dimension_semantics<subcore_parallel>], iteration_bounds = array<i64: 2, 16>, scalar_prefetch = 0 : i64, scratch_operands = 9 : i64, tpu.core_type = #tpu.core_type<sc_vector_subcore>, window_params = [{transform_indices = #map}, {transform_indices = #map}, {transform_indices = #map}, {transform_indices = #map1}]} {
    %mul3A = arith.constant 16 : i32
    %mul3A_0 = arith.muli %arg0, %mul3A : i32
    %add3A = arith.addi %mul3A_0, %arg1 : i32
    %broadcast_in_dim3A = arith.constant 0.000000e+00 : f32
    %broadcast_in_dim3A_1 = vector.broadcast %broadcast_in_dim3A : f32 to vector<16xf32>
    %mul3A_2 = arith.constant 125 : i32
    %mul3A_3 = arith.muli %add3A, %mul3A_2 : i32
    "tpu.region"() ({
      %run_scoped3A_226 = tpu.sem_alloc : memref<!tpu.dma_semaphore, #tpu.memory_space<semaphore_mem>>
      %dma_start3A_227 = arith.constant 0 : i32
      %dma_start3A_228 = tpu.memref_slice %arg3[%mul3A_3, %dma_start3A_227] : memref<4000x80xi32, #tpu.memory_space<hbm>> -> memref<125x80xi32, #tpu.memory_space<hbm>>
      %dma_start3A_229 = arith.constant 0 : i32
      %dma_start3A_230 = tpu.memref_slice %arg3[%mul3A_3, %dma_start3A_229] : memref<4000x80xi32, #tpu.memory_space<hbm>> -> memref<125x80xi32, #tpu.memory_space<hbm>>
      tpu.enqueue_dma source(%dma_start3A_230 : memref<125x80xi32, #tpu.memory_space<hbm>>) target(%arg7 : memref<125x80xi32, #tpu.memory_space<vmem>>) target_semaphore(%run_scoped3A_226 : memref<!tpu.dma_semaphore, #tpu.memory_space<semaphore_mem>>)
      %dma_wait3A_231 = arith.constant 0 : i32
      %dma_wait3A_232 = tpu.memref_slice %arg3[%mul3A_3, %dma_wait3A_231] : memref<4000x80xi32, #tpu.memory_space<hbm>> -> memref<125x80xi32, #tpu.memory_space<hbm>>
      %dma_wait3A_233 = arith.constant 0 : i32
      %dma_wait3A_234 = tpu.memref_slice %arg3[%mul3A_3, %dma_wait3A_233] : memref<4000x80xi32, #tpu.memory_space<hbm>> -> memref<125x80xi32, #tpu.memory_space<hbm>>
      tpu.wait_dma2 semaphore(%run_scoped3A_226 : memref<!tpu.dma_semaphore, #tpu.memory_space<semaphore_mem>>) src(%dma_wait3A_234 : memref<125x80xi32, #tpu.memory_space<hbm>>) dst(%arg7 : memref<125x80xi32, #tpu.memory_space<vmem>>)
      tpu.yield
    }) : () -> ()
    %mul3A_4 = arith.constant 125 : i32
    %mul3A_5 = arith.muli %add3A, %mul3A_4 : i32
    "tpu.region"() ({
      %run_scoped3A_226 = tpu.sem_alloc : memref<!tpu.dma_semaphore, #tpu.memory_space<semaphore_mem>>
      %dma_start3A_227 = arith.constant 0 : i32
      %dma_start3A_228 = tpu.memref_slice %arg4[%mul3A_5, %dma_start3A_227] : memref<4000x80xi32, #tpu.memory_space<hbm>> -> memref<125x80xi32, #tpu.memory_space<hbm>>
      %dma_start3A_229 = arith.constant 0 : i32
      %dma_start3A_230 = tpu.memref_slice %arg4[%mul3A_5, %dma_start3A_229] : memref<4000x80xi32, #tpu.memory_space<hbm>> -> memref<125x80xi32, #tpu.memory_space<hbm>>
      tpu.enqueue_dma source(%dma_start3A_230 : memref<125x80xi32, #tpu.memory_space<hbm>>) target(%arg8 : memref<125x80xi32, #tpu.memory_space<vmem>>) target_semaphore(%run_scoped3A_226 : memref<!tpu.dma_semaphore, #tpu.memory_space<semaphore_mem>>)
      %dma_wait3A_231 = arith.constant 0 : i32
      %dma_wait3A_232 = tpu.memref_slice %arg4[%mul3A_5, %dma_wait3A_231] : memref<4000x80xi32, #tpu.memory_space<hbm>> -> memref<125x80xi32, #tpu.memory_space<hbm>>
      %dma_wait3A_233 = arith.constant 0 : i32
      %dma_wait3A_234 = tpu.memref_slice %arg4[%mul3A_5, %dma_wait3A_233] : memref<4000x80xi32, #tpu.memory_space<hbm>> -> memref<125x80xi32, #tpu.memory_space<hbm>>
      tpu.wait_dma2 semaphore(%run_scoped3A_226 : memref<!tpu.dma_semaphore, #tpu.memory_space<semaphore_mem>>) src(%dma_wait3A_234 : memref<125x80xi32, #tpu.memory_space<hbm>>) dst(%arg8 : memref<125x80xi32, #tpu.memory_space<vmem>>)
      tpu.yield
    }) : () -> ()
    %scan3A = arith.constant 0 : i32
    %scan3A_6 = arith.constant 0 : i32
    %scan3A_7 = arith.constant 80 : i32
    %scan3A_8 = arith.addi %scan3A_6, %scan3A_7 : i32
    %scan3A_9 = arith.constant 1 : i32
    %scan3A_10 = scf.for %scan3A_226 = %scan3A_6 to %scan3A_8 step %scan3A_9 iter_args(%scan3A_227 = %scan3A) -> (i32)  : i32 {
      %scan3A_228 = arith.constant 0 : i32
      %scan3A_229 = arith.constant 0 : i32
      %scan3A_230 = arith.constant 8 : i32
      %scan3A_231 = arith.addi %scan3A_229, %scan3A_230 : i32
      %scan3A_232 = arith.constant 1 : i32
      %scan3A_233 = scf.for %scan3A_236 = %scan3A_229 to %scan3A_231 step %scan3A_232 iter_args(%scan3A_237 = %scan3A_228) -> (i32)  : i32 {
        %mul3A_238 = arith.constant 16 : i32
        %mul3A_239 = arith.muli %scan3A_236, %mul3A_238 : i32
        %swap3A = arith.index_cast %scan3A_226 : i32 to index
        %swap3A_240 = arith.index_cast %mul3A_239 : i32 to index
        %swap3A_241 = tpu.vector_load %arg9[%swap3A, %swap3A_240] {strides = array<i32>} : memref<80x128xf32, #tpu.memory_space<vmem>>, vector<16xf32>,
        tpu.vector_store %arg9[%swap3A, %swap3A_240], %broadcast_in_dim3A_1 {strides = array<i32>} : memref<80x128xf32, #tpu.memory_space<vmem>>, vector<16xf32>,
        %scan3A_242 = arith.constant 0 : i32
        scf.yield %scan3A_242 : i32
      }
      %scan3A_234 = arith.constant 8 : i32
      %scan3A_235 = arith.constant 0 : i32
      scf.yield %scan3A_235 : i32
    }
    %scan3A_11 = arith.constant 80 : i32
    %add3A_12 = arith.constant 0 : i32
    %add3A_13 = arith.addi %arg1, %add3A_12 : i32
    %lt3A = arith.constant 125 : i32
    %lt3A_14 = arith.cmpi slt, %add3A_13, %lt3A : i32
    %convert_element_type3A = arith.extui %lt3A_14 : i1 to i32
    %cond3A = arith.constant 0 : i32
    %cond3A_15 = arith.cmpi ne, %convert_element_type3A, %cond3A : i32
    scf.if %cond3A_15 {
      %mul3A_226 = arith.constant 80 : i32
      %mul3A_227 = arith.muli %add3A_13, %mul3A_226 : i32
      %dma_start3A_228 = arith.constant 0 : i32
      %dma_start3A_229 = tpu.memref_slice %arg6[%mul3A_227, %dma_start3A_228] : memref<10000x128xf32, #tpu.memory_space<vmem_shared>> -> memref<80x128xf32, #tpu.memory_space<vmem_shared>>
      %dma_start3A_230 = arith.constant 0 : i32
      %dma_start3A_231 = tpu.memref_slice %arg6[%mul3A_227, %dma_start3A_230] : memref<10000x128xf32, #tpu.memory_space<vmem_shared>> -> memref<80x128xf32, #tpu.memory_space<vmem_shared>>
      tpu.enqueue_dma source(%arg9 : memref<80x128xf32, #tpu.memory_space<vmem>>) target(%dma_start3A_231 : memref<80x128xf32, #tpu.memory_space<vmem_shared>>) target_semaphore(%arg14 : memref<!tpu.dma_semaphore, #tpu.memory_space<semaphore_mem>>)
    } else {
    }
    %add3A_16 = arith.constant 16 : i32
    %add3A_17 = arith.addi %arg1, %add3A_16 : i32
    %lt3A_18 = arith.constant 125 : i32
    %lt3A_19 = arith.cmpi slt, %add3A_17, %lt3A_18 : i32
    %convert_element_type3A_20 = arith.extui %lt3A_19 : i1 to i32
    %cond3A_21 = arith.constant 0 : i32
    %cond3A_22 = arith.cmpi ne, %convert_element_type3A_20, %cond3A_21 : i32
    scf.if %cond3A_22 {
      %mul3A_226 = arith.constant 80 : i32
      %mul3A_227 = arith.muli %add3A_17, %mul3A_226 : i32
      %dma_start3A_228 = arith.constant 0 : i32
      %dma_start3A_229 = tpu.memref_slice %arg6[%mul3A_227, %dma_start3A_228] : memref<10000x128xf32, #tpu.memory_space<vmem_shared>> -> memref<80x128xf32, #tpu.memory_space<vmem_shared>>
      %dma_start3A_230 = arith.constant 0 : i32
      %dma_start3A_231 = tpu.memref_slice %arg6[%mul3A_227, %dma_start3A_230] : memref<10000x128xf32, #tpu.memory_space<vmem_shared>> -> memref<80x128xf32, #tpu.memory_space<vmem_shared>>
      tpu.enqueue_dma source(%arg9 : memref<80x128xf32, #tpu.memory_space<vmem>>) target(%dma_start3A_231 : memref<80x128xf32, #tpu.memory_space<vmem_shared>>) target_semaphore(%arg14 : memref<!tpu.dma_semaphore, #tpu.memory_space<semaphore_mem>>)
    } else {
    }
    %add3A_23 = arith.constant 32 : i32
    %add3A_24 = arith.addi %arg1, %add3A_23 : i32
    %lt3A_25 = arith.constant 125 : i32
    %lt3A_26 = arith.cmpi slt, %add3A_24, %lt3A_25 : i32
    %convert_element_type3A_27 = arith.extui %lt3A_26 : i1 to i32
    %cond3A_28 = arith.constant 0 : i32
    %cond3A_29 = arith.cmpi ne, %convert_element_type3A_27, %cond3A_28 : i32
    scf.if %cond3A_29 {
      %mul3A_226 = arith.constant 80 : i32
      %mul3A_227 = arith.muli %add3A_24, %mul3A_226 : i32
      %dma_start3A_228 = arith.constant 0 : i32
      %dma_start3A_229 = tpu.memref_slice %arg6[%mul3A_227, %dma_start3A_228] : memref<10000x128xf32, #tpu.memory_space<vmem_shared>> -> memref<80x128xf32, #tpu.memory_space<vmem_shared>>
      %dma_start3A_230 = arith.constant 0 : i32
      %dma_start3A_231 = tpu.memref_slice %arg6[%mul3A_227, %dma_start3A_230] : memref<10000x128xf32, #tpu.memory_space<vmem_shared>> -> memref<80x128xf32, #tpu.memory_space<vmem_shared>>
      tpu.enqueue_dma source(%arg9 : memref<80x128xf32, #tpu.memory_space<vmem>>) target(%dma_start3A_231 : memref<80x128xf32, #tpu.memory_space<vmem_shared>>) target_semaphore(%arg14 : memref<!tpu.dma_semaphore, #tpu.memory_space<semaphore_mem>>)
    } else {
    }
    %add3A_30 = arith.constant 48 : i32
    %add3A_31 = arith.addi %arg1, %add3A_30 : i32
    %lt3A_32 = arith.constant 125 : i32
    %lt3A_33 = arith.cmpi slt, %add3A_31, %lt3A_32 : i32
    %convert_element_type3A_34 = arith.extui %lt3A_33 : i1 to i32
    %cond3A_35 = arith.constant 0 : i32
    %cond3A_36 = arith.cmpi ne, %convert_element_type3A_34, %cond3A_35 : i32
    scf.if %cond3A_36 {
      %mul3A_226 = arith.constant 80 : i32
      %mul3A_227 = arith.muli %add3A_31, %mul3A_226 : i32
      %dma_start3A_228 = arith.constant 0 : i32
      %dma_start3A_229 = tpu.memref_slice %arg6[%mul3A_227, %dma_start3A_228] : memref<10000x128xf32, #tpu.memory_space<vmem_shared>> -> memref<80x128xf32, #tpu.memory_space<vmem_shared>>
      %dma_start3A_230 = arith.constant 0 : i32
      %dma_start3A_231 = tpu.memref_slice %arg6[%mul3A_227, %dma_start3A_230] : memref<10000x128xf32, #tpu.memory_space<vmem_shared>> -> memref<80x128xf32, #tpu.memory_space<vmem_shared>>
      tpu.enqueue_dma source(%arg9 : memref<80x128xf32, #tpu.memory_space<vmem>>) target(%dma_start3A_231 : memref<80x128xf32, #tpu.memory_space<vmem_shared>>) target_semaphore(%arg14 : memref<!tpu.dma_semaphore, #tpu.memory_space<semaphore_mem>>)
    } else {
    }
    %add3A_37 = arith.constant 64 : i32
    %add3A_38 = arith.addi %arg1, %add3A_37 : i32
    %lt3A_39 = arith.constant 125 : i32
    %lt3A_40 = arith.cmpi slt, %add3A_38, %lt3A_39 : i32
    %convert_element_type3A_41 = arith.extui %lt3A_40 : i1 to i32
    %cond3A_42 = arith.constant 0 : i32
    %cond3A_43 = arith.cmpi ne, %convert_element_type3A_41, %cond3A_42 : i32
    scf.if %cond3A_43 {
      %mul3A_226 = arith.constant 80 : i32
      %mul3A_227 = arith.muli %add3A_38, %mul3A_226 : i32
      %dma_start3A_228 = arith.constant 0 : i32
      %dma_start3A_229 = tpu.memref_slice %arg6[%mul3A_227, %dma_start3A_228] : memref<10000x128xf32, #tpu.memory_space<vmem_shared>> -> memref<80x128xf32, #tpu.memory_space<vmem_shared>>
      %dma_start3A_230 = arith.constant 0 : i32
      %dma_start3A_231 = tpu.memref_slice %arg6[%mul3A_227, %dma_start3A_230] : memref<10000x128xf32, #tpu.memory_space<vmem_shared>> -> memref<80x128xf32, #tpu.memory_space<vmem_shared>>
      tpu.enqueue_dma source(%arg9 : memref<80x128xf32, #tpu.memory_space<vmem>>) target(%dma_start3A_231 : memref<80x128xf32, #tpu.memory_space<vmem_shared>>) target_semaphore(%arg14 : memref<!tpu.dma_semaphore, #tpu.memory_space<semaphore_mem>>)
    } else {
    }
    %add3A_44 = arith.constant 80 : i32
    %add3A_45 = arith.addi %arg1, %add3A_44 : i32
    %lt3A_46 = arith.constant 125 : i32
    %lt3A_47 = arith.cmpi slt, %add3A_45, %lt3A_46 : i32
    %convert_element_type3A_48 = arith.extui %lt3A_47 : i1 to i32
    %cond3A_49 = arith.constant 0 : i32
    %cond3A_50 = arith.cmpi ne, %convert_element_type3A_48, %cond3A_49 : i32
    scf.if %cond3A_50 {
      %mul3A_226 = arith.constant 80 : i32
      %mul3A_227 = arith.muli %add3A_45, %mul3A_226 : i32
      %dma_start3A_228 = arith.constant 0 : i32
      %dma_start3A_229 = tpu.memref_slice %arg6[%mul3A_227, %dma_start3A_228] : memref<10000x128xf32, #tpu.memory_space<vmem_shared>> -> memref<80x128xf32, #tpu.memory_space<vmem_shared>>
      %dma_start3A_230 = arith.constant 0 : i32
      %dma_start3A_231 = tpu.memref_slice %arg6[%mul3A_227, %dma_start3A_230] : memref<10000x128xf32, #tpu.memory_space<vmem_shared>> -> memref<80x128xf32, #tpu.memory_space<vmem_shared>>
      tpu.enqueue_dma source(%arg9 : memref<80x128xf32, #tpu.memory_space<vmem>>) target(%dma_start3A_231 : memref<80x128xf32, #tpu.memory_space<vmem_shared>>) target_semaphore(%arg14 : memref<!tpu.dma_semaphore, #tpu.memory_space<semaphore_mem>>)
    } else {
    }
    %add3A_51 = arith.constant 96 : i32
    %add3A_52 = arith.addi %arg1, %add3A_51 : i32
    %lt3A_53 = arith.constant 125 : i32
    %lt3A_54 = arith.cmpi slt, %add3A_52, %lt3A_53 : i32
    %convert_element_type3A_55 = arith.extui %lt3A_54 : i1 to i32
    %cond3A_56 = arith.constant 0 : i32
    %cond3A_57 = arith.cmpi ne, %convert_element_type3A_55, %cond3A_56 : i32
    scf.if %cond3A_57 {
      %mul3A_226 = arith.constant 80 : i32
      %mul3A_227 = arith.muli %add3A_52, %mul3A_226 : i32
      %dma_start3A_228 = arith.constant 0 : i32
      %dma_start3A_229 = tpu.memref_slice %arg6[%mul3A_227, %dma_start3A_228] : memref<10000x128xf32, #tpu.memory_space<vmem_shared>> -> memref<80x128xf32, #tpu.memory_space<vmem_shared>>
      %dma_start3A_230 = arith.constant 0 : i32
      %dma_start3A_231 = tpu.memref_slice %arg6[%mul3A_227, %dma_start3A_230] : memref<10000x128xf32, #tpu.memory_space<vmem_shared>> -> memref<80x128xf32, #tpu.memory_space<vmem_shared>>
      tpu.enqueue_dma source(%arg9 : memref<80x128xf32, #tpu.memory_space<vmem>>) target(%dma_start3A_231 : memref<80x128xf32, #tpu.memory_space<vmem_shared>>) target_semaphore(%arg14 : memref<!tpu.dma_semaphore, #tpu.memory_space<semaphore_mem>>)
    } else {
    }
    %add3A_58 = arith.constant 112 : i32
    %add3A_59 = arith.addi %arg1, %add3A_58 : i32
    %lt3A_60 = arith.constant 125 : i32
    %lt3A_61 = arith.cmpi slt, %add3A_59, %lt3A_60 : i32
    %convert_element_type3A_62 = arith.extui %lt3A_61 : i1 to i32
    %cond3A_63 = arith.constant 0 : i32
    %cond3A_64 = arith.cmpi ne, %convert_element_type3A_62, %cond3A_63 : i32
    scf.if %cond3A_64 {
      %mul3A_226 = arith.constant 80 : i32
      %mul3A_227 = arith.muli %add3A_59, %mul3A_226 : i32
      %dma_start3A_228 = arith.constant 0 : i32
      %dma_start3A_229 = tpu.memref_slice %arg6[%mul3A_227, %dma_start3A_228] : memref<10000x128xf32, #tpu.memory_space<vmem_shared>> -> memref<80x128xf32, #tpu.memory_space<vmem_shared>>
      %dma_start3A_230 = arith.constant 0 : i32
      %dma_start3A_231 = tpu.memref_slice %arg6[%mul3A_227, %dma_start3A_230] : memref<10000x128xf32, #tpu.memory_space<vmem_shared>> -> memref<80x128xf32, #tpu.memory_space<vmem_shared>>
      tpu.enqueue_dma source(%arg9 : memref<80x128xf32, #tpu.memory_space<vmem>>) target(%dma_start3A_231 : memref<80x128xf32, #tpu.memory_space<vmem_shared>>) target_semaphore(%arg14 : memref<!tpu.dma_semaphore, #tpu.memory_space<semaphore_mem>>)
    } else {
    }
    %add3A_65 = arith.constant 0 : i32
    %add3A_66 = arith.addi %arg1, %add3A_65 : i32
    %lt3A_67 = arith.constant 125 : i32
    %lt3A_68 = arith.cmpi slt, %add3A_66, %lt3A_67 : i32
    %convert_element_type3A_69 = arith.extui %lt3A_68 : i1 to i32
    %cond3A_70 = arith.constant 0 : i32
    %cond3A_71 = arith.cmpi ne, %convert_element_type3A_69, %cond3A_70 : i32
    scf.if %cond3A_71 {
      %dma_wait3A_226 = arith.constant 0 : i32
      %dma_wait3A_227 = arith.constant 0 : i32
      %dma_wait3A_228 = tpu.memref_slice %arg6[%dma_wait3A_226, %dma_wait3A_227] : memref<10000x128xf32, #tpu.memory_space<vmem_shared>> -> memref<80x128xf32, #tpu.memory_space<vmem_shared>>
      %dma_wait3A_229 = arith.constant 0 : i32
      %dma_wait3A_230 = arith.constant 0 : i32
      %dma_wait3A_231 = tpu.memref_slice %arg6[%dma_wait3A_229, %dma_wait3A_230] : memref<10000x128xf32, #tpu.memory_space<vmem_shared>> -> memref<80x128xf32, #tpu.memory_space<vmem_shared>>
      tpu.wait_dma2 semaphore(%arg14 : memref<!tpu.dma_semaphore, #tpu.memory_space<semaphore_mem>>) src(%arg9 : memref<80x128xf32, #tpu.memory_space<vmem>>) dst(%dma_wait3A_231 : memref<80x128xf32, #tpu.memory_space<vmem_shared>>)
    } else {
    }
    %add3A_72 = arith.constant 16 : i32
    %add3A_73 = arith.addi %arg1, %add3A_72 : i32
    %lt3A_74 = arith.constant 125 : i32
    %lt3A_75 = arith.cmpi slt, %add3A_73, %lt3A_74 : i32
    %convert_element_type3A_76 = arith.extui %lt3A_75 : i1 to i32
    %cond3A_77 = arith.constant 0 : i32
    %cond3A_78 = arith.cmpi ne, %convert_element_type3A_76, %cond3A_77 : i32
    scf.if %cond3A_78 {
      %dma_wait3A_226 = arith.constant 0 : i32
      %dma_wait3A_227 = arith.constant 0 : i32
      %dma_wait3A_228 = tpu.memref_slice %arg6[%dma_wait3A_226, %dma_wait3A_227] : memref<10000x128xf32, #tpu.memory_space<vmem_shared>> -> memref<80x128xf32, #tpu.memory_space<vmem_shared>>
      %dma_wait3A_229 = arith.constant 0 : i32
      %dma_wait3A_230 = arith.constant 0 : i32
      %dma_wait3A_231 = tpu.memref_slice %arg6[%dma_wait3A_229, %dma_wait3A_230] : memref<10000x128xf32, #tpu.memory_space<vmem_shared>> -> memref<80x128xf32, #tpu.memory_space<vmem_shared>>
      tpu.wait_dma2 semaphore(%arg14 : memref<!tpu.dma_semaphore, #tpu.memory_space<semaphore_mem>>) src(%arg9 : memref<80x128xf32, #tpu.memory_space<vmem>>) dst(%dma_wait3A_231 : memref<80x128xf32, #tpu.memory_space<vmem_shared>>)
    } else {
    }
    %add3A_79 = arith.constant 32 : i32
    %add3A_80 = arith.addi %arg1, %add3A_79 : i32
    %lt3A_81 = arith.constant 125 : i32
    %lt3A_82 = arith.cmpi slt, %add3A_80, %lt3A_81 : i32
    %convert_element_type3A_83 = arith.extui %lt3A_82 : i1 to i32
    %cond3A_84 = arith.constant 0 : i32
    %cond3A_85 = arith.cmpi ne, %convert_element_type3A_83, %cond3A_84 : i32
    scf.if %cond3A_85 {
      %dma_wait3A_226 = arith.constant 0 : i32
      %dma_wait3A_227 = arith.constant 0 : i32
      %dma_wait3A_228 = tpu.memref_slice %arg6[%dma_wait3A_226, %dma_wait3A_227] : memref<10000x128xf32, #tpu.memory_space<vmem_shared>> -> memref<80x128xf32, #tpu.memory_space<vmem_shared>>
      %dma_wait3A_229 = arith.constant 0 : i32
      %dma_wait3A_230 = arith.constant 0 : i32
      %dma_wait3A_231 = tpu.memref_slice %arg6[%dma_wait3A_229, %dma_wait3A_230] : memref<10000x128xf32, #tpu.memory_space<vmem_shared>> -> memref<80x128xf32, #tpu.memory_space<vmem_shared>>
      tpu.wait_dma2 semaphore(%arg14 : memref<!tpu.dma_semaphore, #tpu.memory_space<semaphore_mem>>) src(%arg9 : memref<80x128xf32, #tpu.memory_space<vmem>>) dst(%dma_wait3A_231 : memref<80x128xf32, #tpu.memory_space<vmem_shared>>)
    } else {
    }
    %add3A_86 = arith.constant 48 : i32
    %add3A_87 = arith.addi %arg1, %add3A_86 : i32
    %lt3A_88 = arith.constant 125 : i32
    %lt3A_89 = arith.cmpi slt, %add3A_87, %lt3A_88 : i32
    %convert_element_type3A_90 = arith.extui %lt3A_89 : i1 to i32
    %cond3A_91 = arith.constant 0 : i32
    %cond3A_92 = arith.cmpi ne, %convert_element_type3A_90, %cond3A_91 : i32
    scf.if %cond3A_92 {
      %dma_wait3A_226 = arith.constant 0 : i32
      %dma_wait3A_227 = arith.constant 0 : i32
      %dma_wait3A_228 = tpu.memref_slice %arg6[%dma_wait3A_226, %dma_wait3A_227] : memref<10000x128xf32, #tpu.memory_space<vmem_shared>> -> memref<80x128xf32, #tpu.memory_space<vmem_shared>>
      %dma_wait3A_229 = arith.constant 0 : i32
      %dma_wait3A_230 = arith.constant 0 : i32
      %dma_wait3A_231 = tpu.memref_slice %arg6[%dma_wait3A_229, %dma_wait3A_230] : memref<10000x128xf32, #tpu.memory_space<vmem_shared>> -> memref<80x128xf32, #tpu.memory_space<vmem_shared>>
      tpu.wait_dma2 semaphore(%arg14 : memref<!tpu.dma_semaphore, #tpu.memory_space<semaphore_mem>>) src(%arg9 : memref<80x128xf32, #tpu.memory_space<vmem>>) dst(%dma_wait3A_231 : memref<80x128xf32, #tpu.memory_space<vmem_shared>>)
    } else {
    }
    %add3A_93 = arith.constant 64 : i32
    %add3A_94 = arith.addi %arg1, %add3A_93 : i32
    %lt3A_95 = arith.constant 125 : i32
    %lt3A_96 = arith.cmpi slt, %add3A_94, %lt3A_95 : i32
    %convert_element_type3A_97 = arith.extui %lt3A_96 : i1 to i32
    %cond3A_98 = arith.constant 0 : i32
    %cond3A_99 = arith.cmpi ne, %convert_element_type3A_97, %cond3A_98 : i32
    scf.if %cond3A_99 {
      %dma_wait3A_226 = arith.constant 0 : i32
      %dma_wait3A_227 = arith.constant 0 : i32
      %dma_wait3A_228 = tpu.memref_slice %arg6[%dma_wait3A_226, %dma_wait3A_227] : memref<10000x128xf32, #tpu.memory_space<vmem_shared>> -> memref<80x128xf32, #tpu.memory_space<vmem_shared>>
      %dma_wait3A_229 = arith.constant 0 : i32
      %dma_wait3A_230 = arith.constant 0 : i32
      %dma_wait3A_231 = tpu.memref_slice %arg6[%dma_wait3A_229, %dma_wait3A_230] : memref<10000x128xf32, #tpu.memory_space<vmem_shared>> -> memref<80x128xf32, #tpu.memory_space<vmem_shared>>
      tpu.wait_dma2 semaphore(%arg14 : memref<!tpu.dma_semaphore, #tpu.memory_space<semaphore_mem>>) src(%arg9 : memref<80x128xf32, #tpu.memory_space<vmem>>) dst(%dma_wait3A_231 : memref<80x128xf32, #tpu.memory_space<vmem_shared>>)
    } else {
    }
    %add3A_100 = arith.constant 80 : i32
    %add3A_101 = arith.addi %arg1, %add3A_100 : i32
    %lt3A_102 = arith.constant 125 : i32
    %lt3A_103 = arith.cmpi slt, %add3A_101, %lt3A_102 : i32
    %convert_element_type3A_104 = arith.extui %lt3A_103 : i1 to i32
    %cond3A_105 = arith.constant 0 : i32
    %cond3A_106 = arith.cmpi ne, %convert_element_type3A_104, %cond3A_105 : i32
    scf.if %cond3A_106 {
      %dma_wait3A_226 = arith.constant 0 : i32
      %dma_wait3A_227 = arith.constant 0 : i32
      %dma_wait3A_228 = tpu.memref_slice %arg6[%dma_wait3A_226, %dma_wait3A_227] : memref<10000x128xf32, #tpu.memory_space<vmem_shared>> -> memref<80x128xf32, #tpu.memory_space<vmem_shared>>
      %dma_wait3A_229 = arith.constant 0 : i32
      %dma_wait3A_230 = arith.constant 0 : i32
      %dma_wait3A_231 = tpu.memref_slice %arg6[%dma_wait3A_229, %dma_wait3A_230] : memref<10000x128xf32, #tpu.memory_space<vmem_shared>> -> memref<80x128xf32, #tpu.memory_space<vmem_shared>>
      tpu.wait_dma2 semaphore(%arg14 : memref<!tpu.dma_semaphore, #tpu.memory_space<semaphore_mem>>) src(%arg9 : memref<80x128xf32, #tpu.memory_space<vmem>>) dst(%dma_wait3A_231 : memref<80x128xf32, #tpu.memory_space<vmem_shared>>)
    } else {
    }
    %add3A_107 = arith.constant 96 : i32
    %add3A_108 = arith.addi %arg1, %add3A_107 : i32
    %lt3A_109 = arith.constant 125 : i32
    %lt3A_110 = arith.cmpi slt, %add3A_108, %lt3A_109 : i32
    %convert_element_type3A_111 = arith.extui %lt3A_110 : i1 to i32
    %cond3A_112 = arith.constant 0 : i32
    %cond3A_113 = arith.cmpi ne, %convert_element_type3A_111, %cond3A_112 : i32
    scf.if %cond3A_113 {
      %dma_wait3A_226 = arith.constant 0 : i32
      %dma_wait3A_227 = arith.constant 0 : i32
      %dma_wait3A_228 = tpu.memref_slice %arg6[%dma_wait3A_226, %dma_wait3A_227] : memref<10000x128xf32, #tpu.memory_space<vmem_shared>> -> memref<80x128xf32, #tpu.memory_space<vmem_shared>>
      %dma_wait3A_229 = arith.constant 0 : i32
      %dma_wait3A_230 = arith.constant 0 : i32
      %dma_wait3A_231 = tpu.memref_slice %arg6[%dma_wait3A_229, %dma_wait3A_230] : memref<10000x128xf32, #tpu.memory_space<vmem_shared>> -> memref<80x128xf32, #tpu.memory_space<vmem_shared>>
      tpu.wait_dma2 semaphore(%arg14 : memref<!tpu.dma_semaphore, #tpu.memory_space<semaphore_mem>>) src(%arg9 : memref<80x128xf32, #tpu.memory_space<vmem>>) dst(%dma_wait3A_231 : memref<80x128xf32, #tpu.memory_space<vmem_shared>>)
    } else {
    }
    %add3A_114 = arith.constant 112 : i32
    %add3A_115 = arith.addi %arg1, %add3A_114 : i32
    %lt3A_116 = arith.constant 125 : i32
    %lt3A_117 = arith.cmpi slt, %add3A_115, %lt3A_116 : i32
    %convert_element_type3A_118 = arith.extui %lt3A_117 : i1 to i32
    %cond3A_119 = arith.constant 0 : i32
    %cond3A_120 = arith.cmpi ne, %convert_element_type3A_118, %cond3A_119 : i32
    scf.if %cond3A_120 {
      %dma_wait3A_226 = arith.constant 0 : i32
      %dma_wait3A_227 = arith.constant 0 : i32
      %dma_wait3A_228 = tpu.memref_slice %arg6[%dma_wait3A_226, %dma_wait3A_227] : memref<10000x128xf32, #tpu.memory_space<vmem_shared>> -> memref<80x128xf32, #tpu.memory_space<vmem_shared>>
      %dma_wait3A_229 = arith.constant 0 : i32
      %dma_wait3A_230 = arith.constant 0 : i32
      %dma_wait3A_231 = tpu.memref_slice %arg6[%dma_wait3A_229, %dma_wait3A_230] : memref<10000x128xf32, #tpu.memory_space<vmem_shared>> -> memref<80x128xf32, #tpu.memory_space<vmem_shared>>
      tpu.wait_dma2 semaphore(%arg14 : memref<!tpu.dma_semaphore, #tpu.memory_space<semaphore_mem>>) src(%arg9 : memref<80x128xf32, #tpu.memory_space<vmem>>) dst(%dma_wait3A_231 : memref<80x128xf32, #tpu.memory_space<vmem_shared>>)
    } else {
    }
    %barrier3A = arith.constant 0 : index
    tpu.barrier barrier_id(%barrier3A)
    %dma_start3A = arith.constant 0 : i32
    %dma_start3A_121 = arith.constant 0 : i32
    %dma_start3A_122 = tpu.memref_slice %arg7[%dma_start3A, %dma_start3A_121] : memref<125x80xi32, #tpu.memory_space<vmem>> -> memref<1x80xi32, #tpu.memory_space<vmem>>
    %dma_start3A_123 = tpu.memref_squeeze %dma_start3A_122 : memref<1x80xi32, #tpu.memory_space<vmem>> -> memref<80xi32, #tpu.memory_space<vmem>>
    %dma_start3A_124 = arith.constant 0 : i32
    %dma_start3A_125 = arith.constant 0 : i32
    %dma_start3A_126 = tpu.memref_slice %arg2[%dma_start3A_124, %dma_start3A_125] : memref<10000x128xf32, #tpu.memory_space<hbm>> -> memref<10000x128xf32, #tpu.memory_space<hbm>>
    tpu.enqueue_indirect_dma source(%dma_start3A_126 : memref<10000x128xf32, #tpu.memory_space<hbm>>) target(%arg9 : memref<80x128xf32, #tpu.memory_space<vmem>>) offsets(%dma_start3A_123 : memref<80xi32, #tpu.memory_space<vmem>>) semaphore(%arg12 : memref<!tpu.dma_semaphore, #tpu.memory_space<semaphore_mem>>)
    %dma_start3A_127 = arith.constant 1 : i32
    %dma_start3A_128 = arith.constant 0 : i32
    %dma_start3A_129 = tpu.memref_slice %arg7[%dma_start3A_127, %dma_start3A_128] : memref<125x80xi32, #tpu.memory_space<vmem>> -> memref<1x80xi32, #tpu.memory_space<vmem>>
    %dma_start3A_130 = tpu.memref_squeeze %dma_start3A_129 : memref<1x80xi32, #tpu.memory_space<vmem>> -> memref<80xi32, #tpu.memory_space<vmem>>
    %dma_start3A_131 = arith.constant 0 : i32
    %dma_start3A_132 = arith.constant 0 : i32
    %dma_start3A_133 = tpu.memref_slice %arg2[%dma_start3A_131, %dma_start3A_132] : memref<10000x128xf32, #tpu.memory_space<hbm>> -> memref<10000x128xf32, #tpu.memory_space<hbm>>
    tpu.enqueue_indirect_dma source(%dma_start3A_133 : memref<10000x128xf32, #tpu.memory_space<hbm>>) target(%arg10 : memref<80x128xf32, #tpu.memory_space<vmem>>) offsets(%dma_start3A_130 : memref<80xi32, #tpu.memory_space<vmem>>) semaphore(%arg13 : memref<!tpu.dma_semaphore, #tpu.memory_space<semaphore_mem>>)
    %scan3A_134 = arith.constant 0 : i32
    %scan3A_135 = arith.constant 0 : i32
    %scan3A_136 = arith.constant 41 : i32
    %scan3A_137 = arith.addi %scan3A_135, %scan3A_136 : i32
    %scan3A_138 = arith.constant 1 : i32
    %scan3A_139 = scf.for %scan3A_226 = %scan3A_135 to %scan3A_137 step %scan3A_138 iter_args(%scan3A_227 = %scan3A_134) -> (i32)  : i32 {
      %mul3A_228 = arith.constant 3 : i32
      %mul3A_229 = arith.muli %mul3A_228, %scan3A_226 : i32
      %add3A_230 = arith.constant 0 : i32
      %add3A_231 = arith.addi %mul3A_229, %add3A_230 : i32
      %dma_wait3A_232 = arith.constant 0 : i32
      %dma_wait3A_233 = arith.constant 0 : i32
      %dma_wait3A_234 = tpu.memref_slice %arg7[%dma_wait3A_232, %dma_wait3A_233] : memref<125x80xi32, #tpu.memory_space<vmem>> -> memref<1x80xi32, #tpu.memory_space<vmem>>
      %dma_wait3A_235 = tpu.memref_squeeze %dma_wait3A_234 : memref<1x80xi32, #tpu.memory_space<vmem>> -> memref<80xi32, #tpu.memory_space<vmem>>
      %dma_wait3A_236 = arith.constant 0 : i32
      %dma_wait3A_237 = arith.constant 0 : i32
      %dma_wait3A_238 = tpu.memref_slice %arg2[%dma_wait3A_236, %dma_wait3A_237] : memref<10000x128xf32, #tpu.memory_space<hbm>> -> memref<10000x128xf32, #tpu.memory_space<hbm>>
      tpu.wait_indirect_dma semaphore(%arg12 : memref<!tpu.dma_semaphore, #tpu.memory_space<semaphore_mem>>) src(%dma_wait3A_238 : memref<10000x128xf32, #tpu.memory_space<hbm>>) dst(%arg9 : memref<80x128xf32, #tpu.memory_space<vmem>>)
      %add3A_239 = arith.constant 3 : i32
      %add3A_240 = arith.addi %add3A_231, %add3A_239 : i32
      %sub3A = arith.constant 1 : i32
      %sub3A_241 = arith.subi %add3A_240, %sub3A : i32
      %lt3A_242 = arith.constant 125 : i32
      %lt3A_243 = arith.cmpi slt, %sub3A_241, %lt3A_242 : i32
      %convert_element_type3A_244 = arith.extui %lt3A_243 : i1 to i32
      %cond3A_245 = arith.constant 0 : i32
      %cond3A_246 = arith.cmpi ne, %convert_element_type3A_244, %cond3A_245 : i32
      scf.if %cond3A_246 {
        %add3A_288 = arith.constant 3 : i32
        %add3A_289 = arith.addi %add3A_231, %add3A_288 : i32
        %sub3A_290 = arith.constant 1 : i32
        %sub3A_291 = arith.subi %add3A_289, %sub3A_290 : i32
        %dma_start3A_292 = arith.constant 0 : i32
        %dma_start3A_293 = tpu.memref_slice %arg7[%sub3A_291, %dma_start3A_292] : memref<125x80xi32, #tpu.memory_space<vmem>> -> memref<1x80xi32, #tpu.memory_space<vmem>>
        %dma_start3A_294 = tpu.memref_squeeze %dma_start3A_293 : memref<1x80xi32, #tpu.memory_space<vmem>> -> memref<80xi32, #tpu.memory_space<vmem>>
        %dma_start3A_295 = arith.constant 0 : i32
        %dma_start3A_296 = arith.constant 0 : i32
        %dma_start3A_297 = tpu.memref_slice %arg2[%dma_start3A_295, %dma_start3A_296] : memref<10000x128xf32, #tpu.memory_space<hbm>> -> memref<10000x128xf32, #tpu.memory_space<hbm>>
        tpu.enqueue_indirect_dma source(%dma_start3A_297 : memref<10000x128xf32, #tpu.memory_space<hbm>>) target(%arg11 : memref<80x128xf32, #tpu.memory_space<vmem>>) offsets(%dma_start3A_294 : memref<80xi32, #tpu.memory_space<vmem>>) semaphore(%arg14 : memref<!tpu.dma_semaphore, #tpu.memory_space<semaphore_mem>>)
      } else {
      }
      "tpu.region"() ({
        %run_scoped3A_288 = tpu.sem_alloc : memref<!tpu.dma_semaphore, #tpu.memory_space<semaphore_mem>>
        %dma_start3A_289 = arith.constant 0 : i32
        %dma_start3A_290 = tpu.memref_slice %arg8[%add3A_231, %dma_start3A_289] : memref<125x80xi32, #tpu.memory_space<vmem>> -> memref<1x80xi32, #tpu.memory_space<vmem>>
        %dma_start3A_291 = tpu.memref_squeeze %dma_start3A_290 : memref<1x80xi32, #tpu.memory_space<vmem>> -> memref<80xi32, #tpu.memory_space<vmem>>
        %dma_start3A_292 = arith.constant 0 : i32
        %dma_start3A_293 = arith.constant 0 : i32
        %dma_start3A_294 = tpu.memref_slice %arg6[%dma_start3A_292, %dma_start3A_293] : memref<10000x128xf32, #tpu.memory_space<vmem_shared>> -> memref<10000x128xf32, #tpu.memory_space<vmem_shared>>
        tpu.enqueue_indirect_dma source(%arg9 : memref<80x128xf32, #tpu.memory_space<vmem>>) target(%dma_start3A_294 : memref<10000x128xf32, #tpu.memory_space<vmem_shared>>) offsets(%dma_start3A_291 : memref<80xi32, #tpu.memory_space<vmem>>) semaphore(%run_scoped3A_288 : memref<!tpu.dma_semaphore, #tpu.memory_space<semaphore_mem>>) {add = true}
        %dma_wait3A_295 = arith.constant 0 : i32
        %dma_wait3A_296 = tpu.memref_slice %arg8[%add3A_231, %dma_wait3A_295] : memref<125x80xi32, #tpu.memory_space<vmem>> -> memref<1x80xi32, #tpu.memory_space<vmem>>
        %dma_wait3A_297 = tpu.memref_squeeze %dma_wait3A_296 : memref<1x80xi32, #tpu.memory_space<vmem>> -> memref<80xi32, #tpu.memory_space<vmem>>
        %dma_wait3A_298 = arith.constant 0 : i32
        %dma_wait3A_299 = arith.constant 0 : i32
        %dma_wait3A_300 = tpu.memref_slice %arg6[%dma_wait3A_298, %dma_wait3A_299] : memref<10000x128xf32, #tpu.memory_space<vmem_shared>> -> memref<10000x128xf32, #tpu.memory_space<vmem_shared>>
        tpu.wait_indirect_dma semaphore(%run_scoped3A_288 : memref<!tpu.dma_semaphore, #tpu.memory_space<semaphore_mem>>) src(%arg9 : memref<80x128xf32, #tpu.memory_space<vmem>>) dst(%dma_wait3A_300 : memref<10000x128xf32, #tpu.memory_space<vmem_shared>>)
        tpu.yield
      }) : () -> ()
      %mul3A_247 = arith.constant 3 : i32
      %mul3A_248 = arith.muli %mul3A_247, %scan3A_226 : i32
      %add3A_249 = arith.constant 1 : i32
      %add3A_250 = arith.addi %mul3A_248, %add3A_249 : i32
      %dma_wait3A_251 = arith.constant 0 : i32
      %dma_wait3A_252 = arith.constant 0 : i32
      %dma_wait3A_253 = tpu.memref_slice %arg7[%dma_wait3A_251, %dma_wait3A_252] : memref<125x80xi32, #tpu.memory_space<vmem>> -> memref<1x80xi32, #tpu.memory_space<vmem>>
      %dma_wait3A_254 = tpu.memref_squeeze %dma_wait3A_253 : memref<1x80xi32, #tpu.memory_space<vmem>> -> memref<80xi32, #tpu.memory_space<vmem>>
      %dma_wait3A_255 = arith.constant 0 : i32
      %dma_wait3A_256 = arith.constant 0 : i32
      %dma_wait3A_257 = tpu.memref_slice %arg2[%dma_wait3A_255, %dma_wait3A_256] : memref<10000x128xf32, #tpu.memory_space<hbm>> -> memref<10000x128xf32, #tpu.memory_space<hbm>>
      tpu.wait_indirect_dma semaphore(%arg13 : memref<!tpu.dma_semaphore, #tpu.memory_space<semaphore_mem>>) src(%dma_wait3A_257 : memref<10000x128xf32, #tpu.memory_space<hbm>>) dst(%arg10 : memref<80x128xf32, #tpu.memory_space<vmem>>)
      %add3A_258 = arith.constant 3 : i32
      %add3A_259 = arith.addi %add3A_250, %add3A_258 : i32
      %sub3A_260 = arith.constant 1 : i32
      %sub3A_261 = arith.subi %add3A_259, %sub3A_260 : i32
      %lt3A_262 = arith.constant 125 : i32
      %lt3A_263 = arith.cmpi slt, %sub3A_261, %lt3A_262 : i32
      %convert_element_type3A_264 = arith.extui %lt3A_263 : i1 to i32
      %cond3A_265 = arith.constant 0 : i32
      %cond3A_266 = arith.cmpi ne, %convert_element_type3A_264, %cond3A_265 : i32
      scf.if %cond3A_266 {
        %add3A_288 = arith.constant 3 : i32
        %add3A_289 = arith.addi %add3A_250, %add3A_288 : i32
        %sub3A_290 = arith.constant 1 : i32
        %sub3A_291 = arith.subi %add3A_289, %sub3A_290 : i32
        %dma_start3A_292 = arith.constant 0 : i32
        %dma_start3A_293 = tpu.memref_slice %arg7[%sub3A_291, %dma_start3A_292] : memref<125x80xi32, #tpu.memory_space<vmem>> -> memref<1x80xi32, #tpu.memory_space<vmem>>
        %dma_start3A_294 = tpu.memref_squeeze %dma_start3A_293 : memref<1x80xi32, #tpu.memory_space<vmem>> -> memref<80xi32, #tpu.memory_space<vmem>>
        %dma_start3A_295 = arith.constant 0 : i32
        %dma_start3A_296 = arith.constant 0 : i32
        %dma_start3A_297 = tpu.memref_slice %arg2[%dma_start3A_295, %dma_start3A_296] : memref<10000x128xf32, #tpu.memory_space<hbm>> -> memref<10000x128xf32, #tpu.memory_space<hbm>>
        tpu.enqueue_indirect_dma source(%dma_start3A_297 : memref<10000x128xf32, #tpu.memory_space<hbm>>) target(%arg9 : memref<80x128xf32, #tpu.memory_space<vmem>>) offsets(%dma_start3A_294 : memref<80xi32, #tpu.memory_space<vmem>>) semaphore(%arg12 : memref<!tpu.dma_semaphore, #tpu.memory_space<semaphore_mem>>)
      } else {
      }
      "tpu.region"() ({
        %run_scoped3A_288 = tpu.sem_alloc : memref<!tpu.dma_semaphore, #tpu.memory_space<semaphore_mem>>
        %dma_start3A_289 = arith.constant 0 : i32
        %dma_start3A_290 = tpu.memref_slice %arg8[%add3A_250, %dma_start3A_289] : memref<125x80xi32, #tpu.memory_space<vmem>> -> memref<1x80xi32, #tpu.memory_space<vmem>>
        %dma_start3A_291 = tpu.memref_squeeze %dma_start3A_290 : memref<1x80xi32, #tpu.memory_space<vmem>> -> memref<80xi32, #tpu.memory_space<vmem>>
        %dma_start3A_292 = arith.constant 0 : i32
        %dma_start3A_293 = arith.constant 0 : i32
        %dma_start3A_294 = tpu.memref_slice %arg6[%dma_start3A_292, %dma_start3A_293] : memref<10000x128xf32, #tpu.memory_space<vmem_shared>> -> memref<10000x128xf32, #tpu.memory_space<vmem_shared>>
        tpu.enqueue_indirect_dma source(%arg10 : memref<80x128xf32, #tpu.memory_space<vmem>>) target(%dma_start3A_294 : memref<10000x128xf32, #tpu.memory_space<vmem_shared>>) offsets(%dma_start3A_291 : memref<80xi32, #tpu.memory_space<vmem>>) semaphore(%run_scoped3A_288 : memref<!tpu.dma_semaphore, #tpu.memory_space<semaphore_mem>>) {add = true}
        %dma_wait3A_295 = arith.constant 0 : i32
        %dma_wait3A_296 = tpu.memref_slice %arg8[%add3A_250, %dma_wait3A_295] : memref<125x80xi32, #tpu.memory_space<vmem>> -> memref<1x80xi32, #tpu.memory_space<vmem>>
        %dma_wait3A_297 = tpu.memref_squeeze %dma_wait3A_296 : memref<1x80xi32, #tpu.memory_space<vmem>> -> memref<80xi32, #tpu.memory_space<vmem>>
        %dma_wait3A_298 = arith.constant 0 : i32
        %dma_wait3A_299 = arith.constant 0 : i32
        %dma_wait3A_300 = tpu.memref_slice %arg6[%dma_wait3A_298, %dma_wait3A_299] : memref<10000x128xf32, #tpu.memory_space<vmem_shared>> -> memref<10000x128xf32, #tpu.memory_space<vmem_shared>>
        tpu.wait_indirect_dma semaphore(%run_scoped3A_288 : memref<!tpu.dma_semaphore, #tpu.memory_space<semaphore_mem>>) src(%arg10 : memref<80x128xf32, #tpu.memory_space<vmem>>) dst(%dma_wait3A_300 : memref<10000x128xf32, #tpu.memory_space<vmem_shared>>)
        tpu.yield
      }) : () -> ()
      %mul3A_267 = arith.constant 3 : i32
      %mul3A_268 = arith.muli %mul3A_267, %scan3A_226 : i32
      %add3A_269 = arith.constant 2 : i32
      %add3A_270 = arith.addi %mul3A_268, %add3A_269 : i32
      %dma_wait3A_271 = arith.constant 0 : i32
      %dma_wait3A_272 = arith.constant 0 : i32
      %dma_wait3A_273 = tpu.memref_slice %arg7[%dma_wait3A_271, %dma_wait3A_272] : memref<125x80xi32, #tpu.memory_space<vmem>> -> memref<1x80xi32, #tpu.memory_space<vmem>>
      %dma_wait3A_274 = tpu.memref_squeeze %dma_wait3A_273 : memref<1x80xi32, #tpu.memory_space<vmem>> -> memref<80xi32, #tpu.memory_space<vmem>>
      %dma_wait3A_275 = arith.constant 0 : i32
      %dma_wait3A_276 = arith.constant 0 : i32
      %dma_wait3A_277 = tpu.memref_slice %arg2[%dma_wait3A_275, %dma_wait3A_276] : memref<10000x128xf32, #tpu.memory_space<hbm>> -> memref<10000x128xf32, #tpu.memory_space<hbm>>
      tpu.wait_indirect_dma semaphore(%arg14 : memref<!tpu.dma_semaphore, #tpu.memory_space<semaphore_mem>>) src(%dma_wait3A_277 : memref<10000x128xf32, #tpu.memory_space<hbm>>) dst(%arg11 : memref<80x128xf32, #tpu.memory_space<vmem>>)
      %add3A_278 = arith.constant 3 : i32
      %add3A_279 = arith.addi %add3A_270, %add3A_278 : i32
      %sub3A_280 = arith.constant 1 : i32
      %sub3A_281 = arith.subi %add3A_279, %sub3A_280 : i32
      %lt3A_282 = arith.constant 125 : i32
      %lt3A_283 = arith.cmpi slt, %sub3A_281, %lt3A_282 : i32
      %convert_element_type3A_284 = arith.extui %lt3A_283 : i1 to i32
      %cond3A_285 = arith.constant 0 : i32
      %cond3A_286 = arith.cmpi ne, %convert_element_type3A_284, %cond3A_285 : i32
      scf.if %cond3A_286 {
        %add3A_288 = arith.constant 3 : i32
        %add3A_289 = arith.addi %add3A_270, %add3A_288 : i32
        %sub3A_290 = arith.constant 1 : i32
        %sub3A_291 = arith.subi %add3A_289, %sub3A_290 : i32
        %dma_start3A_292 = arith.constant 0 : i32
        %dma_start3A_293 = tpu.memref_slice %arg7[%sub3A_291, %dma_start3A_292] : memref<125x80xi32, #tpu.memory_space<vmem>> -> memref<1x80xi32, #tpu.memory_space<vmem>>
        %dma_start3A_294 = tpu.memref_squeeze %dma_start3A_293 : memref<1x80xi32, #tpu.memory_space<vmem>> -> memref<80xi32, #tpu.memory_space<vmem>>
        %dma_start3A_295 = arith.constant 0 : i32
        %dma_start3A_296 = arith.constant 0 : i32
        %dma_start3A_297 = tpu.memref_slice %arg2[%dma_start3A_295, %dma_start3A_296] : memref<10000x128xf32, #tpu.memory_space<hbm>> -> memref<10000x128xf32, #tpu.memory_space<hbm>>
        tpu.enqueue_indirect_dma source(%dma_start3A_297 : memref<10000x128xf32, #tpu.memory_space<hbm>>) target(%arg10 : memref<80x128xf32, #tpu.memory_space<vmem>>) offsets(%dma_start3A_294 : memref<80xi32, #tpu.memory_space<vmem>>) semaphore(%arg13 : memref<!tpu.dma_semaphore, #tpu.memory_space<semaphore_mem>>)
      } else {
      }
      "tpu.region"() ({
        %run_scoped3A_288 = tpu.sem_alloc : memref<!tpu.dma_semaphore, #tpu.memory_space<semaphore_mem>>
        %dma_start3A_289 = arith.constant 0 : i32
        %dma_start3A_290 = tpu.memref_slice %arg8[%add3A_270, %dma_start3A_289] : memref<125x80xi32, #tpu.memory_space<vmem>> -> memref<1x80xi32, #tpu.memory_space<vmem>>
        %dma_start3A_291 = tpu.memref_squeeze %dma_start3A_290 : memref<1x80xi32, #tpu.memory_space<vmem>> -> memref<80xi32, #tpu.memory_space<vmem>>
        %dma_start3A_292 = arith.constant 0 : i32
        %dma_start3A_293 = arith.constant 0 : i32
        %dma_start3A_294 = tpu.memref_slice %arg6[%dma_start3A_292, %dma_start3A_293] : memref<10000x128xf32, #tpu.memory_space<vmem_shared>> -> memref<10000x128xf32, #tpu.memory_space<vmem_shared>>
        tpu.enqueue_indirect_dma source(%arg11 : memref<80x128xf32, #tpu.memory_space<vmem>>) target(%dma_start3A_294 : memref<10000x128xf32, #tpu.memory_space<vmem_shared>>) offsets(%dma_start3A_291 : memref<80xi32, #tpu.memory_space<vmem>>) semaphore(%run_scoped3A_288 : memref<!tpu.dma_semaphore, #tpu.memory_space<semaphore_mem>>) {add = true}
        %dma_wait3A_295 = arith.constant 0 : i32
        %dma_wait3A_296 = tpu.memref_slice %arg8[%add3A_270, %dma_wait3A_295] : memref<125x80xi32, #tpu.memory_space<vmem>> -> memref<1x80xi32, #tpu.memory_space<vmem>>
        %dma_wait3A_297 = tpu.memref_squeeze %dma_wait3A_296 : memref<1x80xi32, #tpu.memory_space<vmem>> -> memref<80xi32, #tpu.memory_space<vmem>>
        %dma_wait3A_298 = arith.constant 0 : i32
        %dma_wait3A_299 = arith.constant 0 : i32
        %dma_wait3A_300 = tpu.memref_slice %arg6[%dma_wait3A_298, %dma_wait3A_299] : memref<10000x128xf32, #tpu.memory_space<vmem_shared>> -> memref<10000x128xf32, #tpu.memory_space<vmem_shared>>
        tpu.wait_indirect_dma semaphore(%run_scoped3A_288 : memref<!tpu.dma_semaphore, #tpu.memory_space<semaphore_mem>>) src(%arg11 : memref<80x128xf32, #tpu.memory_space<vmem>>) dst(%dma_wait3A_300 : memref<10000x128xf32, #tpu.memory_space<vmem_shared>>)
        tpu.yield
      }) : () -> ()
      %scan3A_287 = arith.constant 0 : i32
      scf.yield %scan3A_287 : i32
    }
    %scan3A_140 = arith.constant 41 : i32
    %dma_wait3A = arith.constant 0 : i32
    %dma_wait3A_141 = arith.constant 0 : i32
    %dma_wait3A_142 = tpu.memref_slice %arg7[%dma_wait3A, %dma_wait3A_141] : memref<125x80xi32, #tpu.memory_space<vmem>> -> memref<1x80xi32, #tpu.memory_space<vmem>>
    %dma_wait3A_143 = tpu.memref_squeeze %dma_wait3A_142 : memref<1x80xi32, #tpu.memory_space<vmem>> -> memref<80xi32, #tpu.memory_space<vmem>>
    %dma_wait3A_144 = arith.constant 0 : i32
    %dma_wait3A_145 = arith.constant 0 : i32
    %dma_wait3A_146 = tpu.memref_slice %arg2[%dma_wait3A_144, %dma_wait3A_145] : memref<10000x128xf32, #tpu.memory_space<hbm>> -> memref<10000x128xf32, #tpu.memory_space<hbm>>
    tpu.wait_indirect_dma semaphore(%arg12 : memref<!tpu.dma_semaphore, #tpu.memory_space<semaphore_mem>>) src(%dma_wait3A_146 : memref<10000x128xf32, #tpu.memory_space<hbm>>) dst(%arg9 : memref<80x128xf32, #tpu.memory_space<vmem>>)
    %run_scoped3A = arith.constant 123 : i32
    "tpu.region"() ({
      %run_scoped3A_226 = tpu.sem_alloc : memref<!tpu.dma_semaphore, #tpu.memory_space<semaphore_mem>>
      %dma_start3A_227 = arith.constant 0 : i32
      %dma_start3A_228 = tpu.memref_slice %arg8[%run_scoped3A, %dma_start3A_227] : memref<125x80xi32, #tpu.memory_space<vmem>> -> memref<1x80xi32, #tpu.memory_space<vmem>>
      %dma_start3A_229 = tpu.memref_squeeze %dma_start3A_228 : memref<1x80xi32, #tpu.memory_space<vmem>> -> memref<80xi32, #tpu.memory_space<vmem>>
      %dma_start3A_230 = arith.constant 0 : i32
      %dma_start3A_231 = arith.constant 0 : i32
      %dma_start3A_232 = tpu.memref_slice %arg6[%dma_start3A_230, %dma_start3A_231] : memref<10000x128xf32, #tpu.memory_space<vmem_shared>> -> memref<10000x128xf32, #tpu.memory_space<vmem_shared>>
      tpu.enqueue_indirect_dma source(%arg9 : memref<80x128xf32, #tpu.memory_space<vmem>>) target(%dma_start3A_232 : memref<10000x128xf32, #tpu.memory_space<vmem_shared>>) offsets(%dma_start3A_229 : memref<80xi32, #tpu.memory_space<vmem>>) semaphore(%run_scoped3A_226 : memref<!tpu.dma_semaphore, #tpu.memory_space<semaphore_mem>>) {add = true}
      %dma_wait3A_233 = arith.constant 0 : i32
      %dma_wait3A_234 = tpu.memref_slice %arg8[%run_scoped3A, %dma_wait3A_233] : memref<125x80xi32, #tpu.memory_space<vmem>> -> memref<1x80xi32, #tpu.memory_space<vmem>>
      %dma_wait3A_235 = tpu.memref_squeeze %dma_wait3A_234 : memref<1x80xi32, #tpu.memory_space<vmem>> -> memref<80xi32, #tpu.memory_space<vmem>>
      %dma_wait3A_236 = arith.constant 0 : i32
      %dma_wait3A_237 = arith.constant 0 : i32
      %dma_wait3A_238 = tpu.memref_slice %arg6[%dma_wait3A_236, %dma_wait3A_237] : memref<10000x128xf32, #tpu.memory_space<vmem_shared>> -> memref<10000x128xf32, #tpu.memory_space<vmem_shared>>
      tpu.wait_indirect_dma semaphore(%run_scoped3A_226 : memref<!tpu.dma_semaphore, #tpu.memory_space<semaphore_mem>>) src(%arg9 : memref<80x128xf32, #tpu.memory_space<vmem>>) dst(%dma_wait3A_238 : memref<10000x128xf32, #tpu.memory_space<vmem_shared>>)
      tpu.yield
    }) : () -> ()
    %dma_wait3A_147 = arith.constant 0 : i32
    %dma_wait3A_148 = arith.constant 0 : i32
    %dma_wait3A_149 = tpu.memref_slice %arg7[%dma_wait3A_147, %dma_wait3A_148] : memref<125x80xi32, #tpu.memory_space<vmem>> -> memref<1x80xi32, #tpu.memory_space<vmem>>
    %dma_wait3A_150 = tpu.memref_squeeze %dma_wait3A_149 : memref<1x80xi32, #tpu.memory_space<vmem>> -> memref<80xi32, #tpu.memory_space<vmem>>
    %dma_wait3A_151 = arith.constant 0 : i32
    %dma_wait3A_152 = arith.constant 0 : i32
    %dma_wait3A_153 = tpu.memref_slice %arg2[%dma_wait3A_151, %dma_wait3A_152] : memref<10000x128xf32, #tpu.memory_space<hbm>> -> memref<10000x128xf32, #tpu.memory_space<hbm>>
    tpu.wait_indirect_dma semaphore(%arg13 : memref<!tpu.dma_semaphore, #tpu.memory_space<semaphore_mem>>) src(%dma_wait3A_153 : memref<10000x128xf32, #tpu.memory_space<hbm>>) dst(%arg10 : memref<80x128xf32, #tpu.memory_space<vmem>>)
    %run_scoped3A_154 = arith.constant 124 : i32
    "tpu.region"() ({
      %run_scoped3A_226 = tpu.sem_alloc : memref<!tpu.dma_semaphore, #tpu.memory_space<semaphore_mem>>
      %dma_start3A_227 = arith.constant 0 : i32
      %dma_start3A_228 = tpu.memref_slice %arg8[%run_scoped3A_154, %dma_start3A_227] : memref<125x80xi32, #tpu.memory_space<vmem>> -> memref<1x80xi32, #tpu.memory_space<vmem>>
      %dma_start3A_229 = tpu.memref_squeeze %dma_start3A_228 : memref<1x80xi32, #tpu.memory_space<vmem>> -> memref<80xi32, #tpu.memory_space<vmem>>
      %dma_start3A_230 = arith.constant 0 : i32
      %dma_start3A_231 = arith.constant 0 : i32
      %dma_start3A_232 = tpu.memref_slice %arg6[%dma_start3A_230, %dma_start3A_231] : memref<10000x128xf32, #tpu.memory_space<vmem_shared>> -> memref<10000x128xf32, #tpu.memory_space<vmem_shared>>
      tpu.enqueue_indirect_dma source(%arg10 : memref<80x128xf32, #tpu.memory_space<vmem>>) target(%dma_start3A_232 : memref<10000x128xf32, #tpu.memory_space<vmem_shared>>) offsets(%dma_start3A_229 : memref<80xi32, #tpu.memory_space<vmem>>) semaphore(%run_scoped3A_226 : memref<!tpu.dma_semaphore, #tpu.memory_space<semaphore_mem>>) {add = true}
      %dma_wait3A_233 = arith.constant 0 : i32
      %dma_wait3A_234 = tpu.memref_slice %arg8[%run_scoped3A_154, %dma_wait3A_233] : memref<125x80xi32, #tpu.memory_space<vmem>> -> memref<1x80xi32, #tpu.memory_space<vmem>>
      %dma_wait3A_235 = tpu.memref_squeeze %dma_wait3A_234 : memref<1x80xi32, #tpu.memory_space<vmem>> -> memref<80xi32, #tpu.memory_space<vmem>>
      %dma_wait3A_236 = arith.constant 0 : i32
      %dma_wait3A_237 = arith.constant 0 : i32
      %dma_wait3A_238 = tpu.memref_slice %arg6[%dma_wait3A_236, %dma_wait3A_237] : memref<10000x128xf32, #tpu.memory_space<vmem_shared>> -> memref<10000x128xf32, #tpu.memory_space<vmem_shared>>
      tpu.wait_indirect_dma semaphore(%run_scoped3A_226 : memref<!tpu.dma_semaphore, #tpu.memory_space<semaphore_mem>>) src(%arg10 : memref<80x128xf32, #tpu.memory_space<vmem>>) dst(%dma_wait3A_238 : memref<10000x128xf32, #tpu.memory_space<vmem_shared>>)
      tpu.yield
    }) : () -> ()
    %barrier3A_155 = arith.constant 0 : index
    tpu.barrier barrier_id(%barrier3A_155)
    %add3A_156 = arith.constant 0 : i32
    %add3A_157 = arith.addi %arg1, %add3A_156 : i32
    %lt3A_158 = arith.constant 125 : i32
    %lt3A_159 = arith.cmpi slt, %add3A_157, %lt3A_158 : i32
    %convert_element_type3A_160 = arith.extui %lt3A_159 : i1 to i32
    %cond3A_161 = arith.constant 0 : i32
    %cond3A_162 = arith.cmpi ne, %convert_element_type3A_160, %cond3A_161 : i32
    scf.if %cond3A_162 {
      %mul3A_226 = arith.constant 80 : i32
      %mul3A_227 = arith.muli %add3A_157, %mul3A_226 : i32
      "tpu.region"() ({
        %run_scoped3A_236 = tpu.sem_alloc : memref<!tpu.dma_semaphore, #tpu.memory_space<semaphore_mem>>
        %dma_start3A_237 = arith.constant 0 : i32
        %dma_start3A_238 = tpu.memref_slice %arg6[%mul3A_227, %dma_start3A_237] : memref<10000x128xf32, #tpu.memory_space<vmem_shared>> -> memref<80x128xf32, #tpu.memory_space<vmem_shared>>
        %dma_start3A_239 = arith.constant 0 : i32
        %dma_start3A_240 = tpu.memref_slice %arg6[%mul3A_227, %dma_start3A_239] : memref<10000x128xf32, #tpu.memory_space<vmem_shared>> -> memref<80x128xf32, #tpu.memory_space<vmem_shared>>
        tpu.enqueue_dma source(%dma_start3A_240 : memref<80x128xf32, #tpu.memory_space<vmem_shared>>) target(%arg9 : memref<80x128xf32, #tpu.memory_space<vmem>>) target_semaphore(%run_scoped3A_236 : memref<!tpu.dma_semaphore, #tpu.memory_space<semaphore_mem>>)
        %dma_wait3A_241 = arith.constant 0 : i32
        %dma_wait3A_242 = tpu.memref_slice %arg6[%mul3A_227, %dma_wait3A_241] : memref<10000x128xf32, #tpu.memory_space<vmem_shared>> -> memref<80x128xf32, #tpu.memory_space<vmem_shared>>
        %dma_wait3A_243 = arith.constant 0 : i32
        %dma_wait3A_244 = tpu.memref_slice %arg6[%mul3A_227, %dma_wait3A_243] : memref<10000x128xf32, #tpu.memory_space<vmem_shared>> -> memref<80x128xf32, #tpu.memory_space<vmem_shared>>
        tpu.wait_dma2 semaphore(%run_scoped3A_236 : memref<!tpu.dma_semaphore, #tpu.memory_space<semaphore_mem>>) src(%dma_wait3A_244 : memref<80x128xf32, #tpu.memory_space<vmem_shared>>) dst(%arg9 : memref<80x128xf32, #tpu.memory_space<vmem>>)
        tpu.yield
      }) : () -> ()
      %mul3A_228 = arith.constant 80 : i32
      %mul3A_229 = arith.muli %add3A_157, %mul3A_228 : i32
      %dma_start3A_230 = arith.constant 0 : i32
      %dma_start3A_231 = tpu.memref_slice %arg5[%arg0, %mul3A_229, %dma_start3A_230] : memref<2x10000x128xf32, #tpu.memory_space<hbm>> -> memref<1x80x128xf32, #tpu.memory_space<hbm>>
      %dma_start3A_232 = tpu.memref_squeeze %dma_start3A_231 : memref<1x80x128xf32, #tpu.memory_space<hbm>> -> memref<80x128xf32, #tpu.memory_space<hbm>>
      %dma_start3A_233 = arith.constant 0 : i32
      %dma_start3A_234 = tpu.memref_slice %arg5[%arg0, %mul3A_229, %dma_start3A_233] : memref<2x10000x128xf32, #tpu.memory_space<hbm>> -> memref<1x80x128xf32, #tpu.memory_space<hbm>>
      %dma_start3A_235 = tpu.memref_squeeze %dma_start3A_234 : memref<1x80x128xf32, #tpu.memory_space<hbm>> -> memref<80x128xf32, #tpu.memory_space<hbm>>
      tpu.enqueue_dma source(%arg9 : memref<80x128xf32, #tpu.memory_space<vmem>>) target(%dma_start3A_235 : memref<80x128xf32, #tpu.memory_space<hbm>>) target_semaphore(%arg12 : memref<!tpu.dma_semaphore, #tpu.memory_space<semaphore_mem>>)
    } else {
    }
    %add3A_163 = arith.constant 16 : i32
    %add3A_164 = arith.addi %arg1, %add3A_163 : i32
    %lt3A_165 = arith.constant 125 : i32
    %lt3A_166 = arith.cmpi slt, %add3A_164, %lt3A_165 : i32
    %convert_element_type3A_167 = arith.extui %lt3A_166 : i1 to i32
    %cond3A_168 = arith.constant 0 : i32
    %cond3A_169 = arith.cmpi ne, %convert_element_type3A_167, %cond3A_168 : i32
    scf.if %cond3A_169 {
      %mul3A_226 = arith.constant 80 : i32
      %mul3A_227 = arith.muli %add3A_164, %mul3A_226 : i32
      "tpu.region"() ({
        %run_scoped3A_236 = tpu.sem_alloc : memref<!tpu.dma_semaphore, #tpu.memory_space<semaphore_mem>>
        %dma_start3A_237 = arith.constant 0 : i32
        %dma_start3A_238 = tpu.memref_slice %arg6[%mul3A_227, %dma_start3A_237] : memref<10000x128xf32, #tpu.memory_space<vmem_shared>> -> memref<80x128xf32, #tpu.memory_space<vmem_shared>>
        %dma_start3A_239 = arith.constant 0 : i32
        %dma_start3A_240 = tpu.memref_slice %arg6[%mul3A_227, %dma_start3A_239] : memref<10000x128xf32, #tpu.memory_space<vmem_shared>> -> memref<80x128xf32, #tpu.memory_space<vmem_shared>>
        tpu.enqueue_dma source(%dma_start3A_240 : memref<80x128xf32, #tpu.memory_space<vmem_shared>>) target(%arg10 : memref<80x128xf32, #tpu.memory_space<vmem>>) target_semaphore(%run_scoped3A_236 : memref<!tpu.dma_semaphore, #tpu.memory_space<semaphore_mem>>)
        %dma_wait3A_241 = arith.constant 0 : i32
        %dma_wait3A_242 = tpu.memref_slice %arg6[%mul3A_227, %dma_wait3A_241] : memref<10000x128xf32, #tpu.memory_space<vmem_shared>> -> memref<80x128xf32, #tpu.memory_space<vmem_shared>>
        %dma_wait3A_243 = arith.constant 0 : i32
        %dma_wait3A_244 = tpu.memref_slice %arg6[%mul3A_227, %dma_wait3A_243] : memref<10000x128xf32, #tpu.memory_space<vmem_shared>> -> memref<80x128xf32, #tpu.memory_space<vmem_shared>>
        tpu.wait_dma2 semaphore(%run_scoped3A_236 : memref<!tpu.dma_semaphore, #tpu.memory_space<semaphore_mem>>) src(%dma_wait3A_244 : memref<80x128xf32, #tpu.memory_space<vmem_shared>>) dst(%arg10 : memref<80x128xf32, #tpu.memory_space<vmem>>)
        tpu.yield
      }) : () -> ()
      %mul3A_228 = arith.constant 80 : i32
      %mul3A_229 = arith.muli %add3A_164, %mul3A_228 : i32
      %dma_start3A_230 = arith.constant 0 : i32
      %dma_start3A_231 = tpu.memref_slice %arg5[%arg0, %mul3A_229, %dma_start3A_230] : memref<2x10000x128xf32, #tpu.memory_space<hbm>> -> memref<1x80x128xf32, #tpu.memory_space<hbm>>
      %dma_start3A_232 = tpu.memref_squeeze %dma_start3A_231 : memref<1x80x128xf32, #tpu.memory_space<hbm>> -> memref<80x128xf32, #tpu.memory_space<hbm>>
      %dma_start3A_233 = arith.constant 0 : i32
      %dma_start3A_234 = tpu.memref_slice %arg5[%arg0, %mul3A_229, %dma_start3A_233] : memref<2x10000x128xf32, #tpu.memory_space<hbm>> -> memref<1x80x128xf32, #tpu.memory_space<hbm>>
      %dma_start3A_235 = tpu.memref_squeeze %dma_start3A_234 : memref<1x80x128xf32, #tpu.memory_space<hbm>> -> memref<80x128xf32, #tpu.memory_space<hbm>>
      tpu.enqueue_dma source(%arg10 : memref<80x128xf32, #tpu.memory_space<vmem>>) target(%dma_start3A_235 : memref<80x128xf32, #tpu.memory_space<hbm>>) target_semaphore(%arg13 : memref<!tpu.dma_semaphore, #tpu.memory_space<semaphore_mem>>)
    } else {
    }
    %add3A_170 = arith.constant 32 : i32
    %add3A_171 = arith.addi %arg1, %add3A_170 : i32
    %lt3A_172 = arith.constant 125 : i32
    %lt3A_173 = arith.cmpi slt, %add3A_171, %lt3A_172 : i32
    %convert_element_type3A_174 = arith.extui %lt3A_173 : i1 to i32
    %cond3A_175 = arith.constant 0 : i32
    %cond3A_176 = arith.cmpi ne, %convert_element_type3A_174, %cond3A_175 : i32
    scf.if %cond3A_176 {
      %dma_wait3A_226 = arith.constant 0 : i32
      %dma_wait3A_227 = arith.constant 0 : i32
      %dma_wait3A_228 = tpu.memref_slice %arg5[%arg0, %dma_wait3A_226, %dma_wait3A_227] : memref<2x10000x128xf32, #tpu.memory_space<hbm>> -> memref<1x80x128xf32, #tpu.memory_space<hbm>>
      %dma_wait3A_229 = tpu.memref_squeeze %dma_wait3A_228 : memref<1x80x128xf32, #tpu.memory_space<hbm>> -> memref<80x128xf32, #tpu.memory_space<hbm>>
      %dma_wait3A_230 = arith.constant 0 : i32
      %dma_wait3A_231 = arith.constant 0 : i32
      %dma_wait3A_232 = tpu.memref_slice %arg5[%arg0, %dma_wait3A_230, %dma_wait3A_231] : memref<2x10000x128xf32, #tpu.memory_space<hbm>> -> memref<1x80x128xf32, #tpu.memory_space<hbm>>
      %dma_wait3A_233 = tpu.memref_squeeze %dma_wait3A_232 : memref<1x80x128xf32, #tpu.memory_space<hbm>> -> memref<80x128xf32, #tpu.memory_space<hbm>>
      tpu.wait_dma2 semaphore(%arg12 : memref<!tpu.dma_semaphore, #tpu.memory_space<semaphore_mem>>) src(%arg9 : memref<80x128xf32, #tpu.memory_space<vmem>>) dst(%dma_wait3A_233 : memref<80x128xf32, #tpu.memory_space<hbm>>)
      %mul3A_234 = arith.constant 80 : i32
      %mul3A_235 = arith.muli %add3A_171, %mul3A_234 : i32
      "tpu.region"() ({
        %run_scoped3A_244 = tpu.sem_alloc : memref<!tpu.dma_semaphore, #tpu.memory_space<semaphore_mem>>
        %dma_start3A_245 = arith.constant 0 : i32
        %dma_start3A_246 = tpu.memref_slice %arg6[%mul3A_235, %dma_start3A_245] : memref<10000x128xf32, #tpu.memory_space<vmem_shared>> -> memref<80x128xf32, #tpu.memory_space<vmem_shared>>
        %dma_start3A_247 = arith.constant 0 : i32
        %dma_start3A_248 = tpu.memref_slice %arg6[%mul3A_235, %dma_start3A_247] : memref<10000x128xf32, #tpu.memory_space<vmem_shared>> -> memref<80x128xf32, #tpu.memory_space<vmem_shared>>
        tpu.enqueue_dma source(%dma_start3A_248 : memref<80x128xf32, #tpu.memory_space<vmem_shared>>) target(%arg9 : memref<80x128xf32, #tpu.memory_space<vmem>>) target_semaphore(%run_scoped3A_244 : memref<!tpu.dma_semaphore, #tpu.memory_space<semaphore_mem>>)
        %dma_wait3A_249 = arith.constant 0 : i32
        %dma_wait3A_250 = tpu.memref_slice %arg6[%mul3A_235, %dma_wait3A_249] : memref<10000x128xf32, #tpu.memory_space<vmem_shared>> -> memref<80x128xf32, #tpu.memory_space<vmem_shared>>
        %dma_wait3A_251 = arith.constant 0 : i32
        %dma_wait3A_252 = tpu.memref_slice %arg6[%mul3A_235, %dma_wait3A_251] : memref<10000x128xf32, #tpu.memory_space<vmem_shared>> -> memref<80x128xf32, #tpu.memory_space<vmem_shared>>
        tpu.wait_dma2 semaphore(%run_scoped3A_244 : memref<!tpu.dma_semaphore, #tpu.memory_space<semaphore_mem>>) src(%dma_wait3A_252 : memref<80x128xf32, #tpu.memory_space<vmem_shared>>) dst(%arg9 : memref<80x128xf32, #tpu.memory_space<vmem>>)
        tpu.yield
      }) : () -> ()
      %mul3A_236 = arith.constant 80 : i32
      %mul3A_237 = arith.muli %add3A_171, %mul3A_236 : i32
      %dma_start3A_238 = arith.constant 0 : i32
      %dma_start3A_239 = tpu.memref_slice %arg5[%arg0, %mul3A_237, %dma_start3A_238] : memref<2x10000x128xf32, #tpu.memory_space<hbm>> -> memref<1x80x128xf32, #tpu.memory_space<hbm>>
      %dma_start3A_240 = tpu.memref_squeeze %dma_start3A_239 : memref<1x80x128xf32, #tpu.memory_space<hbm>> -> memref<80x128xf32, #tpu.memory_space<hbm>>
      %dma_start3A_241 = arith.constant 0 : i32
      %dma_start3A_242 = tpu.memref_slice %arg5[%arg0, %mul3A_237, %dma_start3A_241] : memref<2x10000x128xf32, #tpu.memory_space<hbm>> -> memref<1x80x128xf32, #tpu.memory_space<hbm>>
      %dma_start3A_243 = tpu.memref_squeeze %dma_start3A_242 : memref<1x80x128xf32, #tpu.memory_space<hbm>> -> memref<80x128xf32, #tpu.memory_space<hbm>>
      tpu.enqueue_dma source(%arg9 : memref<80x128xf32, #tpu.memory_space<vmem>>) target(%dma_start3A_243 : memref<80x128xf32, #tpu.memory_space<hbm>>) target_semaphore(%arg12 : memref<!tpu.dma_semaphore, #tpu.memory_space<semaphore_mem>>)
    } else {
    }
    %add3A_177 = arith.constant 48 : i32
    %add3A_178 = arith.addi %arg1, %add3A_177 : i32
    %lt3A_179 = arith.constant 125 : i32
    %lt3A_180 = arith.cmpi slt, %add3A_178, %lt3A_179 : i32
    %convert_element_type3A_181 = arith.extui %lt3A_180 : i1 to i32
    %cond3A_182 = arith.constant 0 : i32
    %cond3A_183 = arith.cmpi ne, %convert_element_type3A_181, %cond3A_182 : i32
    scf.if %cond3A_183 {
      %dma_wait3A_226 = arith.constant 0 : i32
      %dma_wait3A_227 = arith.constant 0 : i32
      %dma_wait3A_228 = tpu.memref_slice %arg5[%arg0, %dma_wait3A_226, %dma_wait3A_227] : memref<2x10000x128xf32, #tpu.memory_space<hbm>> -> memref<1x80x128xf32, #tpu.memory_space<hbm>>
      %dma_wait3A_229 = tpu.memref_squeeze %dma_wait3A_228 : memref<1x80x128xf32, #tpu.memory_space<hbm>> -> memref<80x128xf32, #tpu.memory_space<hbm>>
      %dma_wait3A_230 = arith.constant 0 : i32
      %dma_wait3A_231 = arith.constant 0 : i32
      %dma_wait3A_232 = tpu.memref_slice %arg5[%arg0, %dma_wait3A_230, %dma_wait3A_231] : memref<2x10000x128xf32, #tpu.memory_space<hbm>> -> memref<1x80x128xf32, #tpu.memory_space<hbm>>
      %dma_wait3A_233 = tpu.memref_squeeze %dma_wait3A_232 : memref<1x80x128xf32, #tpu.memory_space<hbm>> -> memref<80x128xf32, #tpu.memory_space<hbm>>
      tpu.wait_dma2 semaphore(%arg13 : memref<!tpu.dma_semaphore, #tpu.memory_space<semaphore_mem>>) src(%arg10 : memref<80x128xf32, #tpu.memory_space<vmem>>) dst(%dma_wait3A_233 : memref<80x128xf32, #tpu.memory_space<hbm>>)
      %mul3A_234 = arith.constant 80 : i32
      %mul3A_235 = arith.muli %add3A_178, %mul3A_234 : i32
      "tpu.region"() ({
        %run_scoped3A_244 = tpu.sem_alloc : memref<!tpu.dma_semaphore, #tpu.memory_space<semaphore_mem>>
        %dma_start3A_245 = arith.constant 0 : i32
        %dma_start3A_246 = tpu.memref_slice %arg6[%mul3A_235, %dma_start3A_245] : memref<10000x128xf32, #tpu.memory_space<vmem_shared>> -> memref<80x128xf32, #tpu.memory_space<vmem_shared>>
        %dma_start3A_247 = arith.constant 0 : i32
        %dma_start3A_248 = tpu.memref_slice %arg6[%mul3A_235, %dma_start3A_247] : memref<10000x128xf32, #tpu.memory_space<vmem_shared>> -> memref<80x128xf32, #tpu.memory_space<vmem_shared>>
        tpu.enqueue_dma source(%dma_start3A_248 : memref<80x128xf32, #tpu.memory_space<vmem_shared>>) target(%arg10 : memref<80x128xf32, #tpu.memory_space<vmem>>) target_semaphore(%run_scoped3A_244 : memref<!tpu.dma_semaphore, #tpu.memory_space<semaphore_mem>>)
        %dma_wait3A_249 = arith.constant 0 : i32
        %dma_wait3A_250 = tpu.memref_slice %arg6[%mul3A_235, %dma_wait3A_249] : memref<10000x128xf32, #tpu.memory_space<vmem_shared>> -> memref<80x128xf32, #tpu.memory_space<vmem_shared>>
        %dma_wait3A_251 = arith.constant 0 : i32
        %dma_wait3A_252 = tpu.memref_slice %arg6[%mul3A_235, %dma_wait3A_251] : memref<10000x128xf32, #tpu.memory_space<vmem_shared>> -> memref<80x128xf32, #tpu.memory_space<vmem_shared>>
        tpu.wait_dma2 semaphore(%run_scoped3A_244 : memref<!tpu.dma_semaphore, #tpu.memory_space<semaphore_mem>>) src(%dma_wait3A_252 : memref<80x128xf32, #tpu.memory_space<vmem_shared>>) dst(%arg10 : memref<80x128xf32, #tpu.memory_space<vmem>>)
        tpu.yield
      }) : () -> ()
      %mul3A_236 = arith.constant 80 : i32
      %mul3A_237 = arith.muli %add3A_178, %mul3A_236 : i32
      %dma_start3A_238 = arith.constant 0 : i32
      %dma_start3A_239 = tpu.memref_slice %arg5[%arg0, %mul3A_237, %dma_start3A_238] : memref<2x10000x128xf32, #tpu.memory_space<hbm>> -> memref<1x80x128xf32, #tpu.memory_space<hbm>>
      %dma_start3A_240 = tpu.memref_squeeze %dma_start3A_239 : memref<1x80x128xf32, #tpu.memory_space<hbm>> -> memref<80x128xf32, #tpu.memory_space<hbm>>
      %dma_start3A_241 = arith.constant 0 : i32
      %dma_start3A_242 = tpu.memref_slice %arg5[%arg0, %mul3A_237, %dma_start3A_241] : memref<2x10000x128xf32, #tpu.memory_space<hbm>> -> memref<1x80x128xf32, #tpu.memory_space<hbm>>
      %dma_start3A_243 = tpu.memref_squeeze %dma_start3A_242 : memref<1x80x128xf32, #tpu.memory_space<hbm>> -> memref<80x128xf32, #tpu.memory_space<hbm>>
      tpu.enqueue_dma source(%arg10 : memref<80x128xf32, #tpu.memory_space<vmem>>) target(%dma_start3A_243 : memref<80x128xf32, #tpu.memory_space<hbm>>) target_semaphore(%arg13 : memref<!tpu.dma_semaphore, #tpu.memory_space<semaphore_mem>>)
    } else {
    }
    %add3A_184 = arith.constant 64 : i32
    %add3A_185 = arith.addi %arg1, %add3A_184 : i32
    %lt3A_186 = arith.constant 125 : i32
    %lt3A_187 = arith.cmpi slt, %add3A_185, %lt3A_186 : i32
    %convert_element_type3A_188 = arith.extui %lt3A_187 : i1 to i32
    %cond3A_189 = arith.constant 0 : i32
    %cond3A_190 = arith.cmpi ne, %convert_element_type3A_188, %cond3A_189 : i32
    scf.if %cond3A_190 {
      %dma_wait3A_226 = arith.constant 0 : i32
      %dma_wait3A_227 = arith.constant 0 : i32
      %dma_wait3A_228 = tpu.memref_slice %arg5[%arg0, %dma_wait3A_226, %dma_wait3A_227] : memref<2x10000x128xf32, #tpu.memory_space<hbm>> -> memref<1x80x128xf32, #tpu.memory_space<hbm>>
      %dma_wait3A_229 = tpu.memref_squeeze %dma_wait3A_228 : memref<1x80x128xf32, #tpu.memory_space<hbm>> -> memref<80x128xf32, #tpu.memory_space<hbm>>
      %dma_wait3A_230 = arith.constant 0 : i32
      %dma_wait3A_231 = arith.constant 0 : i32
      %dma_wait3A_232 = tpu.memref_slice %arg5[%arg0, %dma_wait3A_230, %dma_wait3A_231] : memref<2x10000x128xf32, #tpu.memory_space<hbm>> -> memref<1x80x128xf32, #tpu.memory_space<hbm>>
      %dma_wait3A_233 = tpu.memref_squeeze %dma_wait3A_232 : memref<1x80x128xf32, #tpu.memory_space<hbm>> -> memref<80x128xf32, #tpu.memory_space<hbm>>
      tpu.wait_dma2 semaphore(%arg12 : memref<!tpu.dma_semaphore, #tpu.memory_space<semaphore_mem>>) src(%arg9 : memref<80x128xf32, #tpu.memory_space<vmem>>) dst(%dma_wait3A_233 : memref<80x128xf32, #tpu.memory_space<hbm>>)
      %mul3A_234 = arith.constant 80 : i32
      %mul3A_235 = arith.muli %add3A_185, %mul3A_234 : i32
      "tpu.region"() ({
        %run_scoped3A_244 = tpu.sem_alloc : memref<!tpu.dma_semaphore, #tpu.memory_space<semaphore_mem>>
        %dma_start3A_245 = arith.constant 0 : i32
        %dma_start3A_246 = tpu.memref_slice %arg6[%mul3A_235, %dma_start3A_245] : memref<10000x128xf32, #tpu.memory_space<vmem_shared>> -> memref<80x128xf32, #tpu.memory_space<vmem_shared>>
        %dma_start3A_247 = arith.constant 0 : i32
        %dma_start3A_248 = tpu.memref_slice %arg6[%mul3A_235, %dma_start3A_247] : memref<10000x128xf32, #tpu.memory_space<vmem_shared>> -> memref<80x128xf32, #tpu.memory_space<vmem_shared>>
        tpu.enqueue_dma source(%dma_start3A_248 : memref<80x128xf32, #tpu.memory_space<vmem_shared>>) target(%arg9 : memref<80x128xf32, #tpu.memory_space<vmem>>) target_semaphore(%run_scoped3A_244 : memref<!tpu.dma_semaphore, #tpu.memory_space<semaphore_mem>>)
        %dma_wait3A_249 = arith.constant 0 : i32
        %dma_wait3A_250 = tpu.memref_slice %arg6[%mul3A_235, %dma_wait3A_249] : memref<10000x128xf32, #tpu.memory_space<vmem_shared>> -> memref<80x128xf32, #tpu.memory_space<vmem_shared>>
        %dma_wait3A_251 = arith.constant 0 : i32
        %dma_wait3A_252 = tpu.memref_slice %arg6[%mul3A_235, %dma_wait3A_251] : memref<10000x128xf32, #tpu.memory_space<vmem_shared>> -> memref<80x128xf32, #tpu.memory_space<vmem_shared>>
        tpu.wait_dma2 semaphore(%run_scoped3A_244 : memref<!tpu.dma_semaphore, #tpu.memory_space<semaphore_mem>>) src(%dma_wait3A_252 : memref<80x128xf32, #tpu.memory_space<vmem_shared>>) dst(%arg9 : memref<80x128xf32, #tpu.memory_space<vmem>>)
        tpu.yield
      }) : () -> ()
      %mul3A_236 = arith.constant 80 : i32
      %mul3A_237 = arith.muli %add3A_185, %mul3A_236 : i32
      %dma_start3A_238 = arith.constant 0 : i32
      %dma_start3A_239 = tpu.memref_slice %arg5[%arg0, %mul3A_237, %dma_start3A_238] : memref<2x10000x128xf32, #tpu.memory_space<hbm>> -> memref<1x80x128xf32, #tpu.memory_space<hbm>>
      %dma_start3A_240 = tpu.memref_squeeze %dma_start3A_239 : memref<1x80x128xf32, #tpu.memory_space<hbm>> -> memref<80x128xf32, #tpu.memory_space<hbm>>
      %dma_start3A_241 = arith.constant 0 : i32
      %dma_start3A_242 = tpu.memref_slice %arg5[%arg0, %mul3A_237, %dma_start3A_241] : memref<2x10000x128xf32, #tpu.memory_space<hbm>> -> memref<1x80x128xf32, #tpu.memory_space<hbm>>
      %dma_start3A_243 = tpu.memref_squeeze %dma_start3A_242 : memref<1x80x128xf32, #tpu.memory_space<hbm>> -> memref<80x128xf32, #tpu.memory_space<hbm>>
      tpu.enqueue_dma source(%arg9 : memref<80x128xf32, #tpu.memory_space<vmem>>) target(%dma_start3A_243 : memref<80x128xf32, #tpu.memory_space<hbm>>) target_semaphore(%arg12 : memref<!tpu.dma_semaphore, #tpu.memory_space<semaphore_mem>>)
    } else {
    }
    %add3A_191 = arith.constant 80 : i32
    %add3A_192 = arith.addi %arg1, %add3A_191 : i32
    %lt3A_193 = arith.constant 125 : i32
    %lt3A_194 = arith.cmpi slt, %add3A_192, %lt3A_193 : i32
    %convert_element_type3A_195 = arith.extui %lt3A_194 : i1 to i32
    %cond3A_196 = arith.constant 0 : i32
    %cond3A_197 = arith.cmpi ne, %convert_element_type3A_195, %cond3A_196 : i32
    scf.if %cond3A_197 {
      %dma_wait3A_226 = arith.constant 0 : i32
      %dma_wait3A_227 = arith.constant 0 : i32
      %dma_wait3A_228 = tpu.memref_slice %arg5[%arg0, %dma_wait3A_226, %dma_wait3A_227] : memref<2x10000x128xf32, #tpu.memory_space<hbm>> -> memref<1x80x128xf32, #tpu.memory_space<hbm>>
      %dma_wait3A_229 = tpu.memref_squeeze %dma_wait3A_228 : memref<1x80x128xf32, #tpu.memory_space<hbm>> -> memref<80x128xf32, #tpu.memory_space<hbm>>
      %dma_wait3A_230 = arith.constant 0 : i32
      %dma_wait3A_231 = arith.constant 0 : i32
      %dma_wait3A_232 = tpu.memref_slice %arg5[%arg0, %dma_wait3A_230, %dma_wait3A_231] : memref<2x10000x128xf32, #tpu.memory_space<hbm>> -> memref<1x80x128xf32, #tpu.memory_space<hbm>>
      %dma_wait3A_233 = tpu.memref_squeeze %dma_wait3A_232 : memref<1x80x128xf32, #tpu.memory_space<hbm>> -> memref<80x128xf32, #tpu.memory_space<hbm>>
      tpu.wait_dma2 semaphore(%arg13 : memref<!tpu.dma_semaphore, #tpu.memory_space<semaphore_mem>>) src(%arg10 : memref<80x128xf32, #tpu.memory_space<vmem>>) dst(%dma_wait3A_233 : memref<80x128xf32, #tpu.memory_space<hbm>>)
      %mul3A_234 = arith.constant 80 : i32
      %mul3A_235 = arith.muli %add3A_192, %mul3A_234 : i32
      "tpu.region"() ({
        %run_scoped3A_244 = tpu.sem_alloc : memref<!tpu.dma_semaphore, #tpu.memory_space<semaphore_mem>>
        %dma_start3A_245 = arith.constant 0 : i32
        %dma_start3A_246 = tpu.memref_slice %arg6[%mul3A_235, %dma_start3A_245] : memref<10000x128xf32, #tpu.memory_space<vmem_shared>> -> memref<80x128xf32, #tpu.memory_space<vmem_shared>>
        %dma_start3A_247 = arith.constant 0 : i32
        %dma_start3A_248 = tpu.memref_slice %arg6[%mul3A_235, %dma_start3A_247] : memref<10000x128xf32, #tpu.memory_space<vmem_shared>> -> memref<80x128xf32, #tpu.memory_space<vmem_shared>>
        tpu.enqueue_dma source(%dma_start3A_248 : memref<80x128xf32, #tpu.memory_space<vmem_shared>>) target(%arg10 : memref<80x128xf32, #tpu.memory_space<vmem>>) target_semaphore(%run_scoped3A_244 : memref<!tpu.dma_semaphore, #tpu.memory_space<semaphore_mem>>)
        %dma_wait3A_249 = arith.constant 0 : i32
        %dma_wait3A_250 = tpu.memref_slice %arg6[%mul3A_235, %dma_wait3A_249] : memref<10000x128xf32, #tpu.memory_space<vmem_shared>> -> memref<80x128xf32, #tpu.memory_space<vmem_shared>>
        %dma_wait3A_251 = arith.constant 0 : i32
        %dma_wait3A_252 = tpu.memref_slice %arg6[%mul3A_235, %dma_wait3A_251] : memref<10000x128xf32, #tpu.memory_space<vmem_shared>> -> memref<80x128xf32, #tpu.memory_space<vmem_shared>>
        tpu.wait_dma2 semaphore(%run_scoped3A_244 : memref<!tpu.dma_semaphore, #tpu.memory_space<semaphore_mem>>) src(%dma_wait3A_252 : memref<80x128xf32, #tpu.memory_space<vmem_shared>>) dst(%arg10 : memref<80x128xf32, #tpu.memory_space<vmem>>)
        tpu.yield
      }) : () -> ()
      %mul3A_236 = arith.constant 80 : i32
      %mul3A_237 = arith.muli %add3A_192, %mul3A_236 : i32
      %dma_start3A_238 = arith.constant 0 : i32
      %dma_start3A_239 = tpu.memref_slice %arg5[%arg0, %mul3A_237, %dma_start3A_238] : memref<2x10000x128xf32, #tpu.memory_space<hbm>> -> memref<1x80x128xf32, #tpu.memory_space<hbm>>
      %dma_start3A_240 = tpu.memref_squeeze %dma_start3A_239 : memref<1x80x128xf32, #tpu.memory_space<hbm>> -> memref<80x128xf32, #tpu.memory_space<hbm>>
      %dma_start3A_241 = arith.constant 0 : i32
      %dma_start3A_242 = tpu.memref_slice %arg5[%arg0, %mul3A_237, %dma_start3A_241] : memref<2x10000x128xf32, #tpu.memory_space<hbm>> -> memref<1x80x128xf32, #tpu.memory_space<hbm>>
      %dma_start3A_243 = tpu.memref_squeeze %dma_start3A_242 : memref<1x80x128xf32, #tpu.memory_space<hbm>> -> memref<80x128xf32, #tpu.memory_space<hbm>>
      tpu.enqueue_dma source(%arg10 : memref<80x128xf32, #tpu.memory_space<vmem>>) target(%dma_start3A_243 : memref<80x128xf32, #tpu.memory_space<hbm>>) target_semaphore(%arg13 : memref<!tpu.dma_semaphore, #tpu.memory_space<semaphore_mem>>)
    } else {
    }
    %add3A_198 = arith.constant 96 : i32
    %add3A_199 = arith.addi %arg1, %add3A_198 : i32
    %lt3A_200 = arith.constant 125 : i32
    %lt3A_201 = arith.cmpi slt, %add3A_199, %lt3A_200 : i32
    %convert_element_type3A_202 = arith.extui %lt3A_201 : i1 to i32
    %cond3A_203 = arith.constant 0 : i32
    %cond3A_204 = arith.cmpi ne, %convert_element_type3A_202, %cond3A_203 : i32
    scf.if %cond3A_204 {
      %dma_wait3A_226 = arith.constant 0 : i32
      %dma_wait3A_227 = arith.constant 0 : i32
      %dma_wait3A_228 = tpu.memref_slice %arg5[%arg0, %dma_wait3A_226, %dma_wait3A_227] : memref<2x10000x128xf32, #tpu.memory_space<hbm>> -> memref<1x80x128xf32, #tpu.memory_space<hbm>>
      %dma_wait3A_229 = tpu.memref_squeeze %dma_wait3A_228 : memref<1x80x128xf32, #tpu.memory_space<hbm>> -> memref<80x128xf32, #tpu.memory_space<hbm>>
      %dma_wait3A_230 = arith.constant 0 : i32
      %dma_wait3A_231 = arith.constant 0 : i32
      %dma_wait3A_232 = tpu.memref_slice %arg5[%arg0, %dma_wait3A_230, %dma_wait3A_231] : memref<2x10000x128xf32, #tpu.memory_space<hbm>> -> memref<1x80x128xf32, #tpu.memory_space<hbm>>
      %dma_wait3A_233 = tpu.memref_squeeze %dma_wait3A_232 : memref<1x80x128xf32, #tpu.memory_space<hbm>> -> memref<80x128xf32, #tpu.memory_space<hbm>>
      tpu.wait_dma2 semaphore(%arg12 : memref<!tpu.dma_semaphore, #tpu.memory_space<semaphore_mem>>) src(%arg9 : memref<80x128xf32, #tpu.memory_space<vmem>>) dst(%dma_wait3A_233 : memref<80x128xf32, #tpu.memory_space<hbm>>)
      %mul3A_234 = arith.constant 80 : i32
      %mul3A_235 = arith.muli %add3A_199, %mul3A_234 : i32
      "tpu.region"() ({
        %run_scoped3A_244 = tpu.sem_alloc : memref<!tpu.dma_semaphore, #tpu.memory_space<semaphore_mem>>
        %dma_start3A_245 = arith.constant 0 : i32
        %dma_start3A_246 = tpu.memref_slice %arg6[%mul3A_235, %dma_start3A_245] : memref<10000x128xf32, #tpu.memory_space<vmem_shared>> -> memref<80x128xf32, #tpu.memory_space<vmem_shared>>
        %dma_start3A_247 = arith.constant 0 : i32
        %dma_start3A_248 = tpu.memref_slice %arg6[%mul3A_235, %dma_start3A_247] : memref<10000x128xf32, #tpu.memory_space<vmem_shared>> -> memref<80x128xf32, #tpu.memory_space<vmem_shared>>
        tpu.enqueue_dma source(%dma_start3A_248 : memref<80x128xf32, #tpu.memory_space<vmem_shared>>) target(%arg9 : memref<80x128xf32, #tpu.memory_space<vmem>>) target_semaphore(%run_scoped3A_244 : memref<!tpu.dma_semaphore, #tpu.memory_space<semaphore_mem>>)
        %dma_wait3A_249 = arith.constant 0 : i32
        %dma_wait3A_250 = tpu.memref_slice %arg6[%mul3A_235, %dma_wait3A_249] : memref<10000x128xf32, #tpu.memory_space<vmem_shared>> -> memref<80x128xf32, #tpu.memory_space<vmem_shared>>
        %dma_wait3A_251 = arith.constant 0 : i32
        %dma_wait3A_252 = tpu.memref_slice %arg6[%mul3A_235, %dma_wait3A_251] : memref<10000x128xf32, #tpu.memory_space<vmem_shared>> -> memref<80x128xf32, #tpu.memory_space<vmem_shared>>
        tpu.wait_dma2 semaphore(%run_scoped3A_244 : memref<!tpu.dma_semaphore, #tpu.memory_space<semaphore_mem>>) src(%dma_wait3A_252 : memref<80x128xf32, #tpu.memory_space<vmem_shared>>) dst(%arg9 : memref<80x128xf32, #tpu.memory_space<vmem>>)
        tpu.yield
      }) : () -> ()
      %mul3A_236 = arith.constant 80 : i32
      %mul3A_237 = arith.muli %add3A_199, %mul3A_236 : i32
      %dma_start3A_238 = arith.constant 0 : i32
      %dma_start3A_239 = tpu.memref_slice %arg5[%arg0, %mul3A_237, %dma_start3A_238] : memref<2x10000x128xf32, #tpu.memory_space<hbm>> -> memref<1x80x128xf32, #tpu.memory_space<hbm>>
      %dma_start3A_240 = tpu.memref_squeeze %dma_start3A_239 : memref<1x80x128xf32, #tpu.memory_space<hbm>> -> memref<80x128xf32, #tpu.memory_space<hbm>>
      %dma_start3A_241 = arith.constant 0 : i32
      %dma_start3A_242 = tpu.memref_slice %arg5[%arg0, %mul3A_237, %dma_start3A_241] : memref<2x10000x128xf32, #tpu.memory_space<hbm>> -> memref<1x80x128xf32, #tpu.memory_space<hbm>>
      %dma_start3A_243 = tpu.memref_squeeze %dma_start3A_242 : memref<1x80x128xf32, #tpu.memory_space<hbm>> -> memref<80x128xf32, #tpu.memory_space<hbm>>
      tpu.enqueue_dma source(%arg9 : memref<80x128xf32, #tpu.memory_space<vmem>>) target(%dma_start3A_243 : memref<80x128xf32, #tpu.memory_space<hbm>>) target_semaphore(%arg12 : memref<!tpu.dma_semaphore, #tpu.memory_space<semaphore_mem>>)
    } else {
    }
    %add3A_205 = arith.constant 112 : i32
    %add3A_206 = arith.addi %arg1, %add3A_205 : i32
    %lt3A_207 = arith.constant 125 : i32
    %lt3A_208 = arith.cmpi slt, %add3A_206, %lt3A_207 : i32
    %convert_element_type3A_209 = arith.extui %lt3A_208 : i1 to i32
    %cond3A_210 = arith.constant 0 : i32
    %cond3A_211 = arith.cmpi ne, %convert_element_type3A_209, %cond3A_210 : i32
    scf.if %cond3A_211 {
      %dma_wait3A_226 = arith.constant 0 : i32
      %dma_wait3A_227 = arith.constant 0 : i32
      %dma_wait3A_228 = tpu.memref_slice %arg5[%arg0, %dma_wait3A_226, %dma_wait3A_227] : memref<2x10000x128xf32, #tpu.memory_space<hbm>> -> memref<1x80x128xf32, #tpu.memory_space<hbm>>
      %dma_wait3A_229 = tpu.memref_squeeze %dma_wait3A_228 : memref<1x80x128xf32, #tpu.memory_space<hbm>> -> memref<80x128xf32, #tpu.memory_space<hbm>>
      %dma_wait3A_230 = arith.constant 0 : i32
      %dma_wait3A_231 = arith.constant 0 : i32
      %dma_wait3A_232 = tpu.memref_slice %arg5[%arg0, %dma_wait3A_230, %dma_wait3A_231] : memref<2x10000x128xf32, #tpu.memory_space<hbm>> -> memref<1x80x128xf32, #tpu.memory_space<hbm>>
      %dma_wait3A_233 = tpu.memref_squeeze %dma_wait3A_232 : memref<1x80x128xf32, #tpu.memory_space<hbm>> -> memref<80x128xf32, #tpu.memory_space<hbm>>
      tpu.wait_dma2 semaphore(%arg13 : memref<!tpu.dma_semaphore, #tpu.memory_space<semaphore_mem>>) src(%arg10 : memref<80x128xf32, #tpu.memory_space<vmem>>) dst(%dma_wait3A_233 : memref<80x128xf32, #tpu.memory_space<hbm>>)
      %mul3A_234 = arith.constant 80 : i32
      %mul3A_235 = arith.muli %add3A_206, %mul3A_234 : i32
      "tpu.region"() ({
        %run_scoped3A_244 = tpu.sem_alloc : memref<!tpu.dma_semaphore, #tpu.memory_space<semaphore_mem>>
        %dma_start3A_245 = arith.constant 0 : i32
        %dma_start3A_246 = tpu.memref_slice %arg6[%mul3A_235, %dma_start3A_245] : memref<10000x128xf32, #tpu.memory_space<vmem_shared>> -> memref<80x128xf32, #tpu.memory_space<vmem_shared>>
        %dma_start3A_247 = arith.constant 0 : i32
        %dma_start3A_248 = tpu.memref_slice %arg6[%mul3A_235, %dma_start3A_247] : memref<10000x128xf32, #tpu.memory_space<vmem_shared>> -> memref<80x128xf32, #tpu.memory_space<vmem_shared>>
        tpu.enqueue_dma source(%dma_start3A_248 : memref<80x128xf32, #tpu.memory_space<vmem_shared>>) target(%arg10 : memref<80x128xf32, #tpu.memory_space<vmem>>) target_semaphore(%run_scoped3A_244 : memref<!tpu.dma_semaphore, #tpu.memory_space<semaphore_mem>>)
        %dma_wait3A_249 = arith.constant 0 : i32
        %dma_wait3A_250 = tpu.memref_slice %arg6[%mul3A_235, %dma_wait3A_249] : memref<10000x128xf32, #tpu.memory_space<vmem_shared>> -> memref<80x128xf32, #tpu.memory_space<vmem_shared>>
        %dma_wait3A_251 = arith.constant 0 : i32
        %dma_wait3A_252 = tpu.memref_slice %arg6[%mul3A_235, %dma_wait3A_251] : memref<10000x128xf32, #tpu.memory_space<vmem_shared>> -> memref<80x128xf32, #tpu.memory_space<vmem_shared>>
        tpu.wait_dma2 semaphore(%run_scoped3A_244 : memref<!tpu.dma_semaphore, #tpu.memory_space<semaphore_mem>>) src(%dma_wait3A_252 : memref<80x128xf32, #tpu.memory_space<vmem_shared>>) dst(%arg10 : memref<80x128xf32, #tpu.memory_space<vmem>>)
        tpu.yield
      }) : () -> ()
      %mul3A_236 = arith.constant 80 : i32
      %mul3A_237 = arith.muli %add3A_206, %mul3A_236 : i32
      %dma_start3A_238 = arith.constant 0 : i32
      %dma_start3A_239 = tpu.memref_slice %arg5[%arg0, %mul3A_237, %dma_start3A_238] : memref<2x10000x128xf32, #tpu.memory_space<hbm>> -> memref<1x80x128xf32, #tpu.memory_space<hbm>>
      %dma_start3A_240 = tpu.memref_squeeze %dma_start3A_239 : memref<1x80x128xf32, #tpu.memory_space<hbm>> -> memref<80x128xf32, #tpu.memory_space<hbm>>
      %dma_start3A_241 = arith.constant 0 : i32
      %dma_start3A_242 = tpu.memref_slice %arg5[%arg0, %mul3A_237, %dma_start3A_241] : memref<2x10000x128xf32, #tpu.memory_space<hbm>> -> memref<1x80x128xf32, #tpu.memory_space<hbm>>
      %dma_start3A_243 = tpu.memref_squeeze %dma_start3A_242 : memref<1x80x128xf32, #tpu.memory_space<hbm>> -> memref<80x128xf32, #tpu.memory_space<hbm>>
      tpu.enqueue_dma source(%arg10 : memref<80x128xf32, #tpu.memory_space<vmem>>) target(%dma_start3A_243 : memref<80x128xf32, #tpu.memory_space<hbm>>) target_semaphore(%arg13 : memref<!tpu.dma_semaphore, #tpu.memory_space<semaphore_mem>>)
    } else {
    }
    %add3A_212 = arith.constant 96 : i32
    %add3A_213 = arith.addi %arg1, %add3A_212 : i32
    %lt3A_214 = arith.constant 125 : i32
    %lt3A_215 = arith.cmpi slt, %add3A_213, %lt3A_214 : i32
    %convert_element_type3A_216 = arith.extui %lt3A_215 : i1 to i32
    %cond3A_217 = arith.constant 0 : i32
    %cond3A_218 = arith.cmpi ne, %convert_element_type3A_216, %cond3A_217 : i32
    scf.if %cond3A_218 {
      %dma_wait3A_226 = arith.constant 0 : i32
      %dma_wait3A_227 = arith.constant 0 : i32
      %dma_wait3A_228 = tpu.memref_slice %arg5[%arg0, %dma_wait3A_226, %dma_wait3A_227] : memref<2x10000x128xf32, #tpu.memory_space<hbm>> -> memref<1x80x128xf32, #tpu.memory_space<hbm>>
      %dma_wait3A_229 = tpu.memref_squeeze %dma_wait3A_228 : memref<1x80x128xf32, #tpu.memory_space<hbm>> -> memref<80x128xf32, #tpu.memory_space<hbm>>
      %dma_wait3A_230 = arith.constant 0 : i32
      %dma_wait3A_231 = arith.constant 0 : i32
      %dma_wait3A_232 = tpu.memref_slice %arg5[%arg0, %dma_wait3A_230, %dma_wait3A_231] : memref<2x10000x128xf32, #tpu.memory_space<hbm>> -> memref<1x80x128xf32, #tpu.memory_space<hbm>>
      %dma_wait3A_233 = tpu.memref_squeeze %dma_wait3A_232 : memref<1x80x128xf32, #tpu.memory_space<hbm>> -> memref<80x128xf32, #tpu.memory_space<hbm>>
      tpu.wait_dma2 semaphore(%arg12 : memref<!tpu.dma_semaphore, #tpu.memory_space<semaphore_mem>>) src(%arg9 : memref<80x128xf32, #tpu.memory_space<vmem>>) dst(%dma_wait3A_233 : memref<80x128xf32, #tpu.memory_space<hbm>>)
    } else {
    }
    %add3A_219 = arith.constant 112 : i32
    %add3A_220 = arith.addi %arg1, %add3A_219 : i32
    %lt3A_221 = arith.constant 125 : i32
    %lt3A_222 = arith.cmpi slt, %add3A_220, %lt3A_221 : i32
    %convert_element_type3A_223 = arith.extui %lt3A_222 : i1 to i32
    %cond3A_224 = arith.constant 0 : i32
    %cond3A_225 = arith.cmpi ne, %convert_element_type3A_223, %cond3A_224 : i32
    scf.if %cond3A_225 {
      %dma_wait3A_226 = arith.constant 0 : i32
      %dma_wait3A_227 = arith.constant 0 : i32
      %dma_wait3A_228 = tpu.memref_slice %arg5[%arg0, %dma_wait3A_226, %dma_wait3A_227] : memref<2x10000x128xf32, #tpu.memory_space<hbm>> -> memref<1x80x128xf32, #tpu.memory_space<hbm>>
      %dma_wait3A_229 = tpu.memref_squeeze %dma_wait3A_228 : memref<1x80x128xf32, #tpu.memory_space<hbm>> -> memref<80x128xf32, #tpu.memory_space<hbm>>
      %dma_wait3A_230 = arith.constant 0 : i32
      %dma_wait3A_231 = arith.constant 0 : i32
      %dma_wait3A_232 = tpu.memref_slice %arg5[%arg0, %dma_wait3A_230, %dma_wait3A_231] : memref<2x10000x128xf32, #tpu.memory_space<hbm>> -> memref<1x80x128xf32, #tpu.memory_space<hbm>>
      %dma_wait3A_233 = tpu.memref_squeeze %dma_wait3A_232 : memref<1x80x128xf32, #tpu.memory_space<hbm>> -> memref<80x128xf32, #tpu.memory_space<hbm>>
      tpu.wait_dma2 semaphore(%arg13 : memref<!tpu.dma_semaphore, #tpu.memory_space<semaphore_mem>>) src(%arg10 : memref<80x128xf32, #tpu.memory_space<vmem>>) dst(%dma_wait3A_233 : memref<80x128xf32, #tpu.memory_space<hbm>>)
    } else {
    }
    return
  }
}

module attributes {stable_mosaic.version = 14 : i64} {
  func.func @_final_body(%arg0: memref<2x10000x128xf32, #tpu.memory_space<vmem>>, %arg1: memref<10000xf32, #tpu.memory_space<vmem>>, %arg2: memref<10000x128xf32, #tpu.memory_space<vmem>>) attributes {dimension_semantics = [], scalar_prefetch = 0 : i64, scratch_operands = 0 : i64, tpu.core_type = #tpu.core_type<tc>} {
    %get3A = arith.constant 0 : index
    %get3A_0 = arith.constant 0 : index
    %get3A_1 = arith.constant 0 : index
    %get3A_2 = vector.load %arg0[%get3A, %get3A_0, %get3A_1] : memref<2x10000x128xf32, #tpu.memory_space<vmem>>, vector<1x10000x128xf32>
    %get3A_3 = vector.shape_cast %get3A_2 : vector<1x10000x128xf32> to vector<10000x128xf32>
    %get3A_4 = arith.constant 1 : index
    %get3A_5 = arith.constant 0 : index
    %get3A_6 = arith.constant 0 : index
    %get3A_7 = vector.load %arg0[%get3A_4, %get3A_5, %get3A_6] : memref<2x10000x128xf32, #tpu.memory_space<vmem>>, vector<1x10000x128xf32>
    %get3A_8 = vector.shape_cast %get3A_7 : vector<1x10000x128xf32> to vector<10000x128xf32>
    %add3A = arith.addf %get3A_3, %get3A_8 : vector<10000x128xf32>
    %get3A_9 = arith.constant 0 : index
    %get3A_10 = vector.load %arg1[%get3A_9] : memref<10000xf32, #tpu.memory_space<vmem>>, vector<10000xf32>
    %mul3A = arith.constant 1.83333337 : f32
    %mul3A_11 = vector.broadcast %mul3A : f32 to vector<10000xf32>
    %mul3A_12 = arith.mulf %get3A_10, %mul3A_11 : vector<10000xf32>
    %broadcast_in_dim3A = vector.shape_cast %mul3A_12 : vector<10000xf32> to vector<10000x1xf32>
    %mul3A_13 = vector.broadcast %broadcast_in_dim3A : vector<10000x1xf32> to vector<10000x128xf32>
    %mul3A_14 = arith.mulf %add3A, %mul3A_13 : vector<10000x128xf32>
    %swap3A = arith.constant 0 : index
    %swap3A_15 = arith.constant 0 : index
    %swap3A_16 = vector.load %arg2[%swap3A, %swap3A_15] : memref<10000x128xf32, #tpu.memory_space<vmem>>, vector<10000x128xf32>
    tpu.vector_store %arg2[%swap3A, %swap3A_15], %mul3A_14 {strides = array<i32>} : memref<10000x128xf32, #tpu.memory_space<vmem>>, vector<10000x128xf32>,
    return
  }
}

module attributes {stable_mosaic.version = 14 : i64} {
  func.func @_norm_body(%arg0: memref<10000x128xf32, #tpu.memory_space<vmem>>, %arg1: memref<32x2x10000xf32, #tpu.memory_space<vmem>>, %arg2: memref<10000x128xf32, #tpu.memory_space<vmem>>, %arg3: memref<10000xf32, #tpu.memory_space<vmem>>) attributes {dimension_semantics = [], scalar_prefetch = 0 : i64, scratch_operands = 0 : i64, tpu.core_type = #tpu.core_type<tc>} {
    %get3A = arith.constant 0 : index
    %get3A_0 = arith.constant 0 : index
    %get3A_1 = arith.constant 0 : index
    %get3A_2 = vector.load %arg1[%get3A, %get3A_0, %get3A_1] : memref<32x2x10000xf32, #tpu.memory_space<vmem>>, vector<32x1x10000xf32>
    %get3A_3 = vector.shape_cast %get3A_2 : vector<32x1x10000xf32> to vector<32x10000xf32>
    %reduce_sum3A = arith.constant dense<0.000000e+00> : vector<10000xf32>
    %reduce_sum3A_4 = vector.multi_reduction <add>, %get3A_3, %reduce_sum3A [0] : vector<32x10000xf32> to vector<10000xf32>
    %get3A_5 = arith.constant 0 : index
    %get3A_6 = arith.constant 1 : index
    %get3A_7 = arith.constant 0 : index
    %get3A_8 = vector.load %arg1[%get3A_5, %get3A_6, %get3A_7] : memref<32x2x10000xf32, #tpu.memory_space<vmem>>, vector<32x1x10000xf32>
    %get3A_9 = vector.shape_cast %get3A_8 : vector<32x1x10000xf32> to vector<32x10000xf32>
    %reduce_sum3A_10 = arith.constant dense<0.000000e+00> : vector<10000xf32>
    %reduce_sum3A_11 = vector.multi_reduction <add>, %get3A_9, %reduce_sum3A_10 [0] : vector<32x10000xf32> to vector<10000xf32>
    %max3A = arith.constant 1.000000e+00 : f32
    %max3A_12 = vector.broadcast %max3A : f32 to vector<10000xf32>
    %max3A_13 = arith.maximumf %reduce_sum3A_4, %max3A_12 : vector<10000xf32>
    %rsqrt3A = math.rsqrt %max3A_13 : vector<10000xf32>
    %max3A_14 = arith.constant 1.000000e+00 : f32
    %max3A_15 = vector.broadcast %max3A_14 : f32 to vector<10000xf32>
    %max3A_16 = arith.maximumf %reduce_sum3A_11, %max3A_15 : vector<10000xf32>
    %rsqrt3A_17 = math.rsqrt %max3A_16 : vector<10000xf32>
    %swap3A = arith.constant 0 : index
    %swap3A_18 = vector.load %arg3[%swap3A] : memref<10000xf32, #tpu.memory_space<vmem>>, vector<10000xf32>
    tpu.vector_store %arg3[%swap3A], %rsqrt3A_17 {strides = array<i32>} : memref<10000xf32, #tpu.memory_space<vmem>>, vector<10000xf32>,
    %get3A_19 = arith.constant 0 : index
    %get3A_20 = arith.constant 0 : index
    %get3A_21 = vector.load %arg0[%get3A_19, %get3A_20] : memref<10000x128xf32, #tpu.memory_space<vmem>>, vector<10000x128xf32>
    %broadcast_in_dim3A = vector.shape_cast %rsqrt3A : vector<10000xf32> to vector<10000x1xf32>
    %mul3A = vector.broadcast %broadcast_in_dim3A : vector<10000x1xf32> to vector<10000x128xf32>
    %mul3A_22 = arith.mulf %get3A_21, %mul3A : vector<10000x128xf32>
    %swap3A_23 = arith.constant 0 : index
    %swap3A_24 = arith.constant 0 : index
    %swap3A_25 = vector.load %arg2[%swap3A_23, %swap3A_24] : memref<10000x128xf32, #tpu.memory_space<vmem>>, vector<10000x128xf32>
    tpu.vector_store %arg2[%swap3A_23, %swap3A_24], %mul3A_22 {strides = array<i32>} : memref<10000x128xf32, #tpu.memory_space<vmem>>, vector<10000x128xf32>,
    return
  }
}

</mosaic_0001>

<sc_bundles>
// kernel: kernel.6.cloned.1.call-start
scs
__scs_entry_jumppad:
0x0: {  	(pc) =	sbr.rel $0x88, $3  }
0x1: {  	(tag) =	ssettag $0x0;
	lr =	simm.s32 $0x1  }
0x2: {  	[smem:$0x3F9F] =	sst lr;
	_ =	strace $0xD0000000  }
0x3: {  	_ = 	snop  }
0x4: {  	_ = 	snop  }
0x5: {  	_ = 	snop  }
0x6: {  	_ = 	snop  }
0x7: {  	_ = 	snop  }
__scs_overlays_trampoline_lowered:
0x8: {  	[smem:$0x3FAE] =	sst s0  }
0x9: {  	[smem:$0x3FAF] =	sst s1  }
0xa: {  	[smem:$0x3FB0] =	sst s2  }
0xb: {  	[smem:$0x3FB1] =	sst s3  }
0xc: {  	[smem:$0x3FB2] =	sst s4  }
0xd: {  	[smem:$0x3FB3] =	sst s5  }
0xe: {  	[smem:$0x3FB4] =	sst s6  }
0xf: {  	[smem:$0x3FB5] =	sst s7  }
0x10: {  	[smem:$0x3FB6] =	sst s8  }
0x11: {  	[smem:$0x3FB7] =	sst s9;
	s0 =	simm.s32 @!p0 $0x0  }
0x12: {  	s1 =	sld [smem:$0x3F9D];
	s0 =	simm.s32 @p0 $0x1  }
0x13: {  	[smem:$0x3FB8] =	sst s0;
	s0 =	simm.s32 @!p1 $0x0  }
0x14: {  	s2 =	sld [smem:$0x3F9C];
	s0 =	simm.s32 @p1 $0x1  }
0x15: {  	[smem:$0x3FB9] =	sst s0;
	s0 =	simm.s32 @!p2 $0x0  }
0x16: {  	s3 =	sld [smem:$0x3FDB];
	s0 =	simm.s32 @p2 $0x1  }
0x17: {  	s4 =	simm.s32 $0x1BF5;
	[smem:$0x3FBB] =	sst s0  }
0x18: {  	s0 =	sld [smem:$0x3F9E];
	_ =	swait.ge [sflag:s4], $0x0  }
0x19: {  	s7 =	sld [smem:$0x3F9F]  }
0x1a: {  	s8 =	sadd.s32 $0xFFFFE003, lr  }
0x1b: {  	s9 =	sadd.s32 $0xFFFFFEF7, lr;
	s5 =	simm.s32 $0xFFFFFFFF;
	p2 =	slt.u32 s8, $0xFFFFF086  }
0x1c: {  	p1 =	slt.u32 s9, $0xF7A;
	s5 =	simm.s32 @!p2 $0x0  }
0x1d: {  	s5 =	simm.s32 @p1 $0x1;
	p0 =	seq.s32 s7, s2  }
0x1e: {  	s7 =	smul.u32 @!p0 $0xF7A, s2;
	p2 =	seq.s32 @!p0 s5, $0x0  }
0x1f: {  	s9 =	smul.u32 $0xF7A, s1;
	s8 =	simm.s32 @!p0 $0x1BF5;
	p2 =	por !p2, p0  }
0x20: {  	[sflag:s8] =	ssyncset.s32 @!p0 $0xFFFFF086;
	s6 =	sadd.s32 @!p0 s3, s7;
	s7 =	simm.s32 @!p0 $0x108  }
0x21: {  	s3 =	sadd.s32 s3, s9;
	s6 =	sadd.s32 @!p0 $0x88, s6;
	s7 =	simm.s32 @p2 $0x1082  }
0x22: {  	[simem:s7], [sflag:s8] =	dma.local @!p0 [hbm:s6], $0xF7A  }
0x23: {  	s9 =	sor.u32 $0xD0000000, s2;
	s6 =	simm.s32 $0x108;
	_ =	swait.ge @!p0 [sflag:s8], $0x0  }
0x24: {  	s3 =	sadd.s32 $0x88, s3;
	s6 =	simm.s32 @!p1 $0x1082;
	[sflag:s4] =	ssyncset.s32 $0xFFFFF086  }
0x25: {  	[simem:s6], [sflag:s4] =	dma.local [hbm:s3], $0xF7A  }
0x26: {  	[smem:$0x3F9F] =	sst s1;
	(tag) =	ssettag s2;
	_ =	strace s9  }
0x27: {  	s1 =	sld [smem:$0x3FAF]  }
0x28: {  	s2 =	sld [smem:$0x3FB0]  }
0x29: {  	s4 =	sld [smem:$0x3FB2]  }
0x2a: {  	p0 =	seq.s32 s5, $0x0;
	s5 =	sld [smem:$0x3FB3]  }
0x2b: {  	s6 =	sld [smem:$0x3FB4]  }
0x2c: {  	s7 =	sld [smem:$0x3FB5]  }
0x2d: {  	s3 =	simm.s32 $0x108;
	s8 =	sld [smem:$0x3FB6]  }
0x2e: {  	s3 =	simm.s32 @!p0 $0x1082;
	s9 =	sld [smem:$0x3FB7]  }
0x2f: {  	lr =	sadd.s32 s0, s3;
	s0 =	sld [smem:$0x3FAE]  }
0x30: {  	s3 =	sld [smem:$0x3FB1]  }
0x31: {  	[smem:$0x3FBA] =	sst s10  }
0x32: {  	s10 =	sld [smem:$0x3FB8];
	_ =	sdelay $0x3  }
0x33: {  	p0 =	seq.s32 s10, $0x1;
	s10 =	sld [smem:$0x3FBA];
	_ =	sdelay $0x3  }
0x34: {  	[smem:$0x3FBA] =	sst s10  }
0x35: {  	s10 =	sld [smem:$0x3FB9];
	_ =	sdelay $0x3  }
0x36: {  	p1 =	seq.s32 s10, $0x1;
	s10 =	sld [smem:$0x3FBA];
	_ =	sdelay $0x3  }
0x37: {  	[smem:$0x3FBA] =	sst s10  }
0x38: {  	s10 =	sld [smem:$0x3FBB]  }
0x39: {  	_ = 	snop;
	(pc) =	sbr.ind lr, $3  }
0x3a: {  	_ = 	snop  }
0x3b: {  	_ = 	snop  }
0x3c: {  	p2 =	seq.s32 s10, $0x1;
	s10 =	sld [smem:$0x3FBA]  }
0x3d: {  	_ =	shalt  }
0x3e: {  	_ =	shalt  }
0x3f: {  	_ =	shalt  }
0x40: {  	_ =	shalt  }
0x41: {  	_ =	shalt  }
0x42: {  	_ =	shalt  }
0x43: {  	_ =	shalt  }
0x44: {  	_ =	shalt  }
0x45: {  	_ =	shalt  }
0x46: {  	_ =	shalt  }
0x47: {  	_ =	shalt  }
0x48: {  	_ =	shalt  }
0x49: {  	_ =	shalt  }
0x4a: {  	_ =	shalt  }
0x4b: {  	_ =	shalt  }
0x4c: {  	_ =	shalt  }
0x4d: {  	_ =	shalt  }
0x4e: {  	_ =	shalt  }
0x4f: {  	_ =	shalt  }
0x50: {  	_ =	shalt  }
0x51: {  	_ =	shalt  }
0x52: {  	_ =	shalt  }
0x53: {  	_ =	shalt  }
0x54: {  	_ =	shalt  }
0x55: {  	_ =	shalt  }
0x56: {  	_ =	shalt  }
0x57: {  	_ =	shalt  }
0x58: {  	_ =	shalt  }
0x59: {  	_ =	shalt  }
0x5a: {  	_ =	shalt  }
0x5b: {  	_ =	shalt  }
0x5c: {  	_ =	shalt  }
0x5d: {  	_ =	shalt  }
0x5e: {  	_ =	shalt  }
0x5f: {  	_ =	shalt  }
0x60: {  	_ =	shalt  }
0x61: {  	_ =	shalt  }
0x62: {  	_ =	shalt  }
0x63: {  	_ =	shalt  }
0x64: {  	_ =	shalt  }
0x65: {  	_ =	shalt  }
0x66: {  	_ =	shalt  }
0x67: {  	_ =	shalt  }
0x68: {  	_ =	shalt  }
0x69: {  	_ =	shalt  }
0x6a: {  	_ =	shalt  }
0x6b: {  	_ =	shalt  }
0x6c: {  	_ =	shalt  }
0x6d: {  	_ =	shalt  }
0x6e: {  	_ =	shalt  }
0x6f: {  	_ =	shalt  }
0x70: {  	_ =	shalt  }
0x71: {  	_ =	shalt  }
0x72: {  	_ =	shalt  }
0x73: {  	_ =	shalt  }
0x74: {  	_ =	shalt  }
0x75: {  	_ =	shalt  }
0x76: {  	_ =	shalt  }
0x77: {  	_ =	shalt  }
0x78: {  	_ =	shalt  }
0x79: {  	_ =	shalt  }
0x7a: {  	_ =	shalt  }
0x7b: {  	_ =	shalt  }
0x7c: {  	_ =	shalt  }
0x7d: {  	_ =	shalt  }
0x7e: {  	_ =	shalt  }
0x7f: {  	_ =	shalt  }
0x80: {  	_ =	shalt  }
0x81: {  	_ =	shalt  }
0x82: {  	_ =	shalt  }
0x83: {  	_ =	shalt  }
0x84: {  	_ =	shalt  }
0x85: {  	_ =	shalt  }
0x86: {  	_ =	shalt  }
0x87: {  	_ =	shalt  }
.Lfunc_end0:
.L_simem_size_0:
called_computation_lowered:
.L_overlay_start_0:
0x88: {  	s2 =	sld [smem:$0x3FD9]  }
0x89: {  	s3 =	sld [smem:$0x3FFE];
	_ =	sdelay $0x1  }
0x8a: {  	s1 =	srdreg.scid  }
0x8b: {  	s0 =	sand.u32 $0x1, s1  }
0x8c: {  	s17 =	sshll.u32 s0, $0xA;
	s2 =	sadd.s32 s3, s2  }
0x8d: {  	s2 =	sadd.s32 s2, s17  }
0x8e: {  	[smem:$0x3FC6] =	sst s2  }
0x8f: {  	_ = 	snop  }
0x90: {  	s2 =	sld [smem:$0x3FD0];
	(tm) =	ssettm $0x1  }
0x91: {  	s18 =	sld [smem:$0x3FFB];
	_ =	sdelay $0x3  }
0x92: {  	_ =	strace s18  }
0x93: {  	s3 =	sld [smem:$0x3FFC];
	_ =	sdelay $0x3  }
0x94: {  	_ =	strace s3  }
0x95: {  	s3 =	sld [smem:$0x3FFD];
	_ =	sdelay $0x3  }
0x96: {  	_ =	strace s3  }
0x97: {  	_ =	strace $0x8FFFFFFF  }
0x98: {  	s19 =	sld [smem:$0x3FDB];
	_ =	sdelay $0x1  }
0x99: {  	s4 =	simm.s32 $_scs_section_size  }
0x9a: {  	s5 =	simm.s32 $_size__tile_overlayer_lowered;
	s6 =	simm.s32 $_tile_overlayer_lowered  }
0x9b: {  	s22 =	simm.s32 $0x1BFF;
	s21 =	sshll.u32 s6, $0x1;
	s3 =	sadd.s32 s4, s19  }
0x9c: {  	s7 =	simm.s32 $0x0;
	s20 =	sshll.u32 s5, $0x1;
	s5 =	sadd.s32 s21, s3  }
0x9d: {  	[timem:s7], [sflag:s22] =	dma.local [hbm:s5], s20  }
0x9e: {  	_ =	swait.ge [sflag:s22], s20  }
0x9f: {  	s4 =	ssub.s32 $0x0, s20;
	[sflag:s22] =	ssyncset.done $0x0  }
0xa0: {  	[sflag:s22] =	ssyncadd.s32 s4;
	_ =	sdelay $0x1  }
0xa1: {  	s23 =	simm.s32 $0x1B8B  }
0xa2: {  	_ =	swait.ge [sflag:s23], $0x1  }
0xa3: {  	[sflag:s23] =	ssyncset.done $0x0  }
0xa4: {  	s25 =	simm.s32 $0x1B8E;
	s24 =	sld [smem:$0x3FFE];
	[sflag:s23] =	ssyncadd.s32 $0xFFFFFFFF  }
0xa5: {  	s26 =	simm.s32 $execute0_lowered;
	[smem:$0x3FD2] =	sst s25  }
0xa6: {  	s5 =	sshll.u32 s26, $0x1;
	_ =	strace $0x80000046;
	[dreg:$0x1] =	wrdreg $0xFFFFFFFF  }
0xa7: {  	s28 =	simm.s32 $_size_execute0_lowered;
	s3 =	sadd.s32 s3, s5;
	[dreg:$0x0] =	wrdreg $0x0  }
0xa8: {  	s5 =	sshll.u32 s28, $0x1;
	[dreg:$0x2] =	wrdreg s3  }
0xa9: {  	[dreg:$0x3] =	wrdreg s5  }
0xaa: {  	[dreg:$0x4] =	wrdreg $0xC0  }
0xab: {  	_ =	task [dreg:s7], $0x5FFFF  }
0xac: {  	[dreg:$0x1] =	wrdreg $0xFFFFFFFF  }
0xad: {  	[dreg:$0x0] =	wrdreg $0x60  }
0xae: {  	[dreg:$0x2] =	wrdreg s24  }
0xaf: {  	[dreg:$0x3] =	wrdreg s2  }
0xb0: {  	[dreg:$0x4] =	wrdreg $0x9  }
0xb1: {  	_ =	task.clear_ibuf [dreg:s7], $0x5FFFF;
	_ =	strace $0x90000046  }
0xb2: {  	s29 =	simm.s32 $0x9;
	_ =	strace $0x80000048  }
0xb3: {  	_ =	swait.ge [sflag:s29], $0x1  }
0xb4: {  	[sflag:s29] =	ssyncadd.s32 $0xFFFFFFFF  }
0xb5: {  	_ =	strace $0x90000048  }
0xb6: {  	_ =	sfence  }
0xb7: {  	s30 =	sld [smem:$0x0];
	_ =	sdelay $0x2  }
0xb8: {  	s31 =	sshll.u32 s1, $0xD;
	s1 =	sshrl.u32 s1, $0x2  }
0xb9: {  	s3 =	sand.u32 $0x4000, s31;
	s1 =	sadd.s32 s1, s30  }
0xba: {  	s0 =	sor.u32 s3, s0;
	s1 =	sshll.u32 s1, $0x11  }
0xbb: {  	s0 =	sor.u32 s1, s0  }
0xbc: {  	s0 =	sadd.s32 $0x8F2B, s0  }
0xbd: {  	[sflag:s0] =	ssyncadd.remote.s32 $0x1  }
0xbe: {  	_ =	sfence.sel $0xFFFF  }
0xbf: {  	[dreg:$0x0] =	wrdreg $0xFFFFFFFF;
	(pc) =	sbr.abs _section_cstart, $3  }
0xc0: {  	[dreg:$0x1] =	wrdreg $0xFFFFFFFF  }
0xc1: {  	_ =	task.clear_ibuf [dreg:s7], $0x2FFFF;
	_ =	strace $0x9FFFFFFF  }
0xc2: {  	(tm) =	ssettm $0x7FFFFFFF  }
0xc3: {  	_ =	shalt  }
tec
execute0_lowered:
.L_overlay_start_1:
0x0: {  	(tag) =	ssettag $0x1  }
0x1: {  	s0 =	srdreg.scid;
	s4 =	rddreg [dreg:$0x0]  }
0x2: {  	s5 =	rddreg [dreg:$0x1];
	s2 =	simm.s32 $0x0;
	s3 =	sand.u32 $0x1, s0  }
0x3: {  	s9 =	simm.s32 $0x1;
	s0 =	stileid.u32;
	s1 =	sshll.u32 s3, $0x4  }
0x4: {  	s10 =	simm.s32 $0x4E20;
	s11 =	simm.s32 $0x2;
	s6 =	sor.u32 s0, s1  }
0x5: {  	s12 =	simm.s32 $0x7530;
	s13 =	simm.s32 $0x0;
	s7 =	smul.u32 $0x4E2, s6  }
0x6: {  	[smem:$0x7FF] =	sst s2;
	s3 =	ssub.s32 $0x2, s3;
	s6 =	smul.u32 $0x4E20, s6  }
0x7: {  	s1 =	rddreg [dreg:$0x2];
	_ =	strace $0x80000047;
	s31 =	sshrl.u32 s3, $0x1  }
0x8: {  	s8 =	ssub.s32 s3, s31;
	s7 =	sadd.s32 s7, s4;
	s6 =	sshrl.u32 s6, $0x3  }
0x9: {  	s3 =	sadd.s32 $0xAC00, s7;
	s4 =	sadd.s32 s5, s6;
	s5 =	sadd.s32 $0xE00, s7  }
0xa: {  	v0 =	vimm.f32 $0.0e+00;
	v1 =	vimm.f32 $1.000000000e+00;
	s7 =	smax.u32 s8, $0x1;
	s8 =	simm.s32 $0x2710;
	s6 =	sadd.s32 $0x4E2, s4  }
.LBB2_1:
0xb: {  	[tilespmem:s2], [sflag:$0x1] =	stream.linear.gather [hbm4b:s3+s2], $0x2710, $0x38;
	[tilespmem:$0x9C40] =	vst v63  }
0xc: {  	s14 =	simm.s32 $0x0;
	s15 =	simm.s32 $0x140  }
0xd: {  	[tilespmem:s8], [sflag:$0x2] =	stream.linear.gather [hbm4b:s5+s2], $0x2710, $0x38;
	[tilespmem:$0x9C40] =	vst v63  }
.LBB2_2:
0xe: {  	p0 =	sne.s32 s15, $0x9B00;
	[tilespmem:s14+$0x7570] =	vst v0  }
0xf: {  	[tilespmem:s14+$0x4E20] =	vst v0  }
0x10: {  	[tilespmem:s14+$0x7530] =	vst v0  }
0x11: {  	[tilespmem:s14+$0x4E30] =	vst v0  }
0x12: {  	[tilespmem:s14+$0x7540] =	vst v0  }
.Ltmp0:
0x13: {  	[tilespmem:s14+$0x4E40] =	vst v0;
	(pc) =	sbr.rel @p0 .LBB2_2-.Ltmp0, $4  }
0x14: {  	[tilespmem:s14+$0x7550] =	vst v0  }
0x15: {  	[tilespmem:s14+$0x4E50] =	vst v0  }
0x16: {  	[tilespmem:s14+$0x7560] =	vst v0  }
0x17: {  	[tilespmem:s14+$0x4E60] =	vst v0;
	s14 =	sshra.s32 s15, $0x2;
	s15 =	sadd.s32 $0x140, s15  }
0x18: {  	[tilespmem:s14+$0x7570] =	vst v0  }
0x19: {  	[tilespmem:s14+$0x4E20] =	vst v0  }
0x1a: {  	[tilespmem:s14+$0x7530] =	vst v0  }
0x1b: {  	[tilespmem:s14+$0x4E30] =	vst v0  }
0x1c: {  	[tilespmem:s14+$0x7540] =	vst v0  }
0x1d: {  	[tilespmem:s14+$0x4E40] =	vst v0  }
0x1e: {  	[tilespmem:s14+$0x7550] =	vst v0  }
0x1f: {  	[tilespmem:s14+$0x4E50] =	vst v0  }
0x20: {  	[tilespmem:s14+$0x7560] =	vst v0  }
0x21: {  	[tilespmem:s14+$0x4E60] =	vst v0  }
0x22: {  	_ =	swait.ge [sflag:s9], $0x2710  }
0x23: {  	[sflag:s9] =	ssyncset.done $0x0  }
0x24: {  	s14 =	simm.s32 $0x0;
	[sflag:s9] =	ssyncadd.s32 $0xFFFFD8F0  }
.LBB2_4:
0x25: {  	s15 =	sshra.s32 s14, $0x2  }
0x26: {  	v2 =	vld [tilespmem:s15+$0x0];
	_ =	sdelay $0x7  }
0x27: {  	[tilespmem:v2+s10+$0x0] =	vst.idx.add.f32.msk $0xffff, v1  }
0x28: {  	v2 =	vld [tilespmem:s15+$0x10];
	_ =	sdelay $0x7  }
0x29: {  	[tilespmem:v2+s10+$0x0] =	vst.idx.add.f32.msk $0xffff, v1  }
0x2a: {  	v2 =	vld [tilespmem:s15+$0x20];
	_ =	sdelay $0x7  }
0x2b: {  	[tilespmem:v2+s10+$0x0] =	vst.idx.add.f32.msk $0xffff, v1  }
0x2c: {  	v2 =	vld [tilespmem:s15+$0x30];
	_ =	sdelay $0x7  }
0x2d: {  	[tilespmem:v2+s10+$0x0] =	vst.idx.add.f32.msk $0xffff, v1  }
0x2e: {  	v2 =	vld [tilespmem:s15+$0x40];
	_ =	sdelay $0x2  }
0x2f: {  	p0 =	sne.s32 s14, $0x9B00  }
.Ltmp1:
0x30: {  	_ = 	snop;
	(pc) =	sbr.rel @p0 .LBB2_4-.Ltmp1, $2  }
0x31: {  	_ =	sdelay $0x2  }
0x32: {  	s14 =	sadd.s32 $0x140, s14;
	[tilespmem:v2+s10+$0x0] =	vst.idx.add.f32.msk $0xffff, v1  }
0x33: {  	_ =	swait.ge [sflag:s11], $0x2710  }
0x34: {  	[sflag:s11] =	ssyncset.done $0x0  }
0x35: {  	s14 =	simm.s32 $0x0;
	[sflag:s11] =	ssyncadd.s32 $0xFFFFD8F0  }
.LBB2_6:
0x36: {  	s15 =	sshra.s32 s14, $0x2  }
0x37: {  	v2 =	vld [tilespmem:s15+$0x2710];
	_ =	sdelay $0x7  }
0x38: {  	[tilespmem:v2+s12+$0x0] =	vst.idx.add.f32.msk $0xffff, v1  }
0x39: {  	v2 =	vld [tilespmem:s15+$0x2720];
	_ =	sdelay $0x7  }
0x3a: {  	[tilespmem:v2+s12+$0x0] =	vst.idx.add.f32.msk $0xffff, v1  }
0x3b: {  	v2 =	vld [tilespmem:s15+$0x2730];
	_ =	sdelay $0x7  }
0x3c: {  	[tilespmem:v2+s12+$0x0] =	vst.idx.add.f32.msk $0xffff, v1  }
0x3d: {  	v2 =	vld [tilespmem:s15+$0x2740];
	_ =	sdelay $0x7  }
0x3e: {  	[tilespmem:v2+s12+$0x0] =	vst.idx.add.f32.msk $0xffff, v1  }
0x3f: {  	v2 =	vld [tilespmem:s15+$0x2750];
	_ =	sdelay $0x2  }
0x40: {  	p0 =	sne.s32 s14, $0x9B00  }
.Ltmp2:
0x41: {  	_ = 	snop;
	(pc) =	sbr.rel @p0 .LBB2_6-.Ltmp2, $2  }
0x42: {  	_ =	sdelay $0x2  }
0x43: {  	s14 =	sadd.s32 $0x140, s14;
	[tilespmem:v2+s12+$0x0] =	vst.idx.add.f32.msk $0xffff, v1  }
0x44: {  	[hbm4b:s4+s2] =	stream.linear.scatter [tilespmem:s10], [sflag:$0x1], $0x2710, $0x38;
	[tilespmem:$0x9C40] =	vst v63  }
0x45: {  	s13 =	sadd.s32 $0x1, s13  }
0x46: {  	[hbm4b:s6+s2] =	stream.linear.scatter [tilespmem:s12], [sflag:$0x2], $0x2710, $0x38;
	[tilespmem:$0x9C40] =	vst v63  }
0x47: {  	p0 =	sne.s32 s13, s7;
	_ =	swait.ge [sflag:s9], $0x2710  }
.Ltmp3:
0x48: {  	[sflag:s9] =	ssyncset.done $0x0;
	(pc) =	sbr.rel @p0 .LBB2_1-.Ltmp3, $4  }
0x49: {  	[sflag:s9] =	ssyncadd.s32 $0xFFFFD8F0  }
0x4a: {  	_ =	swait.ge [sflag:s11], $0x2710  }
0x4b: {  	[sflag:s11] =	ssyncset.done $0x0  }
0x4c: {  	[sflag:s11] =	ssyncadd.s32 $0xFFFFD8F0  }
0x4d: {  	_ =	sfence.sel $0x180000  }
0x4e: {  	[bflag:$0x0] =	sbarrier.arrive $0xFFFF  }
0x4f: {  	p0 =	sne.s32 s0, $0x0;
	_ =	strace $0x90000047  }
0x50: {  	s0 =	sadd.s32 @!p0 $0x100000, s1;
	[bflag:$0x2] =	sbarrier.arrive $0xFFFF  }
0x51: {  	[sflag:s0] =	ssyncadd.tile.s32 @!p0 $0x1;
	_ =	shalt  }
.Lfunc_end2:
_tile_overlayer_lowered:
.L_overlay_start_2:
0x52: {  	(tag) =	ssettag $0x2  }
0x53: {  	s0 =	rddreg [dreg:$0x0];
	s2 =	stileid.u32  }
0x54: {  	s1 =	rddreg [dreg:$0x1];
	p0 =	sne.s32 s2, $0x0  }
0x55: {  	s3 =	rddreg [dreg:$0x2];
	[bflag:$0x3] =	sbarrier.arrive $0xFFFF;
	s2 =	simm.s32 @!p0 $0x1C03  }
0x56: {  	[timem:s3], [sflag:s2] =	dma.local @!p0 [hbm:s0], s1  }
0x57: {  	s0 =	simm.s32 @!p0 $0x3  }
0x58: {  	_ =	swait.ge @!p0 [sflag:s0], s1  }
0x59: {  	s1 =	ssub.s32 @!p0 $0x0, s1;
	[sflag:s0] =	ssyncset.done @!p0 $0x0  }
0x5a: {  	[sflag:s0] =	ssyncadd.s32 @!p0 s1  }
0x5b: {  	[bflag:$0x3] =	sbarrier.arrive $0xFFFF  }
0x5c: {  	_ =	shalt  }

// kernel: kernel.9.cloned.1.call-start
scs
__scs_entry_jumppad:
0x0: {  	(pc) =	sbr.rel $0x88, $3  }
0x1: {  	(tag) =	ssettag $0x0;
	lr =	simm.s32 $0x1  }
0x2: {  	[smem:$0x3F9F] =	sst lr;
	_ =	strace $0xD0000000  }
0x3: {  	_ = 	snop  }
0x4: {  	_ = 	snop  }
0x5: {  	_ = 	snop  }
0x6: {  	_ = 	snop  }
0x7: {  	_ = 	snop  }
__scs_overlays_trampoline_lowered:
0x8: {  	[smem:$0x3FAE] =	sst s0  }
0x9: {  	[smem:$0x3FAF] =	sst s1  }
0xa: {  	[smem:$0x3FB0] =	sst s2  }
0xb: {  	[smem:$0x3FB1] =	sst s3  }
0xc: {  	[smem:$0x3FB2] =	sst s4  }
0xd: {  	[smem:$0x3FB3] =	sst s5  }
0xe: {  	[smem:$0x3FB4] =	sst s6  }
0xf: {  	[smem:$0x3FB5] =	sst s7  }
0x10: {  	[smem:$0x3FB6] =	sst s8  }
0x11: {  	[smem:$0x3FB7] =	sst s9;
	s0 =	simm.s32 @!p0 $0x0  }
0x12: {  	s1 =	sld [smem:$0x3F9D];
	s0 =	simm.s32 @p0 $0x1  }
0x13: {  	[smem:$0x3FB8] =	sst s0;
	s0 =	simm.s32 @!p1 $0x0  }
0x14: {  	s2 =	sld [smem:$0x3F9C];
	s0 =	simm.s32 @p1 $0x1  }
0x15: {  	[smem:$0x3FB9] =	sst s0;
	s0 =	simm.s32 @!p2 $0x0  }
0x16: {  	s3 =	sld [smem:$0x3FDB];
	s0 =	simm.s32 @p2 $0x1  }
0x17: {  	s4 =	simm.s32 $0x1BF5;
	[smem:$0x3FBB] =	sst s0  }
0x18: {  	s0 =	sld [smem:$0x3F9E];
	_ =	swait.ge [sflag:s4], $0x0  }
0x19: {  	s7 =	sld [smem:$0x3F9F]  }
0x1a: {  	s8 =	sadd.s32 $0xFFFFE003, lr  }
0x1b: {  	s9 =	sadd.s32 $0xFFFFFEF7, lr;
	s5 =	simm.s32 $0xFFFFFFFF;
	p2 =	slt.u32 s8, $0xFFFFF086  }
0x1c: {  	p1 =	slt.u32 s9, $0xF7A;
	s5 =	simm.s32 @!p2 $0x0  }
0x1d: {  	s5 =	simm.s32 @p1 $0x1;
	p0 =	seq.s32 s7, s2  }
0x1e: {  	s7 =	smul.u32 @!p0 $0xF7A, s2;
	p2 =	seq.s32 @!p0 s5, $0x0  }
0x1f: {  	s9 =	smul.u32 $0xF7A, s1;
	s8 =	simm.s32 @!p0 $0x1BF5;
	p2 =	por !p2, p0  }
0x20: {  	[sflag:s8] =	ssyncset.s32 @!p0 $0xFFFFF086;
	s6 =	sadd.s32 @!p0 s3, s7;
	s7 =	simm.s32 @!p0 $0x108  }
0x21: {  	s3 =	sadd.s32 s3, s9;
	s6 =	sadd.s32 @!p0 $0x88, s6;
	s7 =	simm.s32 @p2 $0x1082  }
0x22: {  	[simem:s7], [sflag:s8] =	dma.local @!p0 [hbm:s6], $0xF7A  }
0x23: {  	s9 =	sor.u32 $0xD0000000, s2;
	s6 =	simm.s32 $0x108;
	_ =	swait.ge @!p0 [sflag:s8], $0x0  }
0x24: {  	s3 =	sadd.s32 $0x88, s3;
	s6 =	simm.s32 @!p1 $0x1082;
	[sflag:s4] =	ssyncset.s32 $0xFFFFF086  }
0x25: {  	[simem:s6], [sflag:s4] =	dma.local [hbm:s3], $0xF7A  }
0x26: {  	[smem:$0x3F9F] =	sst s1;
	(tag) =	ssettag s2;
	_ =	strace s9  }
0x27: {  	s1 =	sld [smem:$0x3FAF]  }
0x28: {  	s2 =	sld [smem:$0x3FB0]  }
0x29: {  	s4 =	sld [smem:$0x3FB2]  }
0x2a: {  	p0 =	seq.s32 s5, $0x0;
	s5 =	sld [smem:$0x3FB3]  }
0x2b: {  	s6 =	sld [smem:$0x3FB4]  }
0x2c: {  	s7 =	sld [smem:$0x3FB5]  }
0x2d: {  	s3 =	simm.s32 $0x108;
	s8 =	sld [smem:$0x3FB6]  }
0x2e: {  	s3 =	simm.s32 @!p0 $0x1082;
	s9 =	sld [smem:$0x3FB7]  }
0x2f: {  	lr =	sadd.s32 s0, s3;
	s0 =	sld [smem:$0x3FAE]  }
0x30: {  	s3 =	sld [smem:$0x3FB1]  }
0x31: {  	[smem:$0x3FBA] =	sst s10  }
0x32: {  	s10 =	sld [smem:$0x3FB8];
	_ =	sdelay $0x3  }
0x33: {  	p0 =	seq.s32 s10, $0x1;
	s10 =	sld [smem:$0x3FBA];
	_ =	sdelay $0x3  }
0x34: {  	[smem:$0x3FBA] =	sst s10  }
0x35: {  	s10 =	sld [smem:$0x3FB9];
	_ =	sdelay $0x3  }
0x36: {  	p1 =	seq.s32 s10, $0x1;
	s10 =	sld [smem:$0x3FBA];
	_ =	sdelay $0x3  }
0x37: {  	[smem:$0x3FBA] =	sst s10  }
0x38: {  	s10 =	sld [smem:$0x3FBB]  }
0x39: {  	_ = 	snop;
	(pc) =	sbr.ind lr, $3  }
0x3a: {  	_ = 	snop  }
0x3b: {  	_ = 	snop  }
0x3c: {  	p2 =	seq.s32 s10, $0x1;
	s10 =	sld [smem:$0x3FBA]  }
0x3d: {  	_ =	shalt  }
0x3e: {  	_ =	shalt  }
0x3f: {  	_ =	shalt  }
0x40: {  	_ =	shalt  }
0x41: {  	_ =	shalt  }
0x42: {  	_ =	shalt  }
0x43: {  	_ =	shalt  }
0x44: {  	_ =	shalt  }
0x45: {  	_ =	shalt  }
0x46: {  	_ =	shalt  }
0x47: {  	_ =	shalt  }
0x48: {  	_ =	shalt  }
0x49: {  	_ =	shalt  }
0x4a: {  	_ =	shalt  }
0x4b: {  	_ =	shalt  }
0x4c: {  	_ =	shalt  }
0x4d: {  	_ =	shalt  }
0x4e: {  	_ =	shalt  }
0x4f: {  	_ =	shalt  }
0x50: {  	_ =	shalt  }
0x51: {  	_ =	shalt  }
0x52: {  	_ =	shalt  }
0x53: {  	_ =	shalt  }
0x54: {  	_ =	shalt  }
0x55: {  	_ =	shalt  }
0x56: {  	_ =	shalt  }
0x57: {  	_ =	shalt  }
0x58: {  	_ =	shalt  }
0x59: {  	_ =	shalt  }
0x5a: {  	_ =	shalt  }
0x5b: {  	_ =	shalt  }
0x5c: {  	_ =	shalt  }
0x5d: {  	_ =	shalt  }
0x5e: {  	_ =	shalt  }
0x5f: {  	_ =	shalt  }
0x60: {  	_ =	shalt  }
0x61: {  	_ =	shalt  }
0x62: {  	_ =	shalt  }
0x63: {  	_ =	shalt  }
0x64: {  	_ =	shalt  }
0x65: {  	_ =	shalt  }
0x66: {  	_ =	shalt  }
0x67: {  	_ =	shalt  }
0x68: {  	_ =	shalt  }
0x69: {  	_ =	shalt  }
0x6a: {  	_ =	shalt  }
0x6b: {  	_ =	shalt  }
0x6c: {  	_ =	shalt  }
0x6d: {  	_ =	shalt  }
0x6e: {  	_ =	shalt  }
0x6f: {  	_ =	shalt  }
0x70: {  	_ =	shalt  }
0x71: {  	_ =	shalt  }
0x72: {  	_ =	shalt  }
0x73: {  	_ =	shalt  }
0x74: {  	_ =	shalt  }
0x75: {  	_ =	shalt  }
0x76: {  	_ =	shalt  }
0x77: {  	_ =	shalt  }
0x78: {  	_ =	shalt  }
0x79: {  	_ =	shalt  }
0x7a: {  	_ =	shalt  }
0x7b: {  	_ =	shalt  }
0x7c: {  	_ =	shalt  }
0x7d: {  	_ =	shalt  }
0x7e: {  	_ =	shalt  }
0x7f: {  	_ =	shalt  }
0x80: {  	_ =	shalt  }
0x81: {  	_ =	shalt  }
0x82: {  	_ =	shalt  }
0x83: {  	_ =	shalt  }
0x84: {  	_ =	shalt  }
0x85: {  	_ =	shalt  }
0x86: {  	_ =	shalt  }
0x87: {  	_ =	shalt  }
.Lfunc_end0:
.L_simem_size_0:
called_computation.1_lowered:
.L_overlay_start_0:
0x88: {  	s2 =	sld [smem:$0x3FD9]  }
0x89: {  	s3 =	sld [smem:$0x3FFE];
	_ =	sdelay $0x1  }
0x8a: {  	s1 =	srdreg.scid  }
0x8b: {  	s0 =	sand.u32 $0x1, s1  }
0x8c: {  	s17 =	sshll.u32 s0, $0xA;
	s2 =	sadd.s32 s3, s2  }
0x8d: {  	s2 =	sadd.s32 s2, s17  }
0x8e: {  	[smem:$0x3FC6] =	sst s2  }
0x8f: {  	_ = 	snop  }
0x90: {  	s2 =	sld [smem:$0x3FD0];
	(tm) =	ssettm $0x1  }
0x91: {  	s18 =	sld [smem:$0x3FFB];
	_ =	sdelay $0x3  }
0x92: {  	_ =	strace s18  }
0x93: {  	s3 =	sld [smem:$0x3FFC];
	_ =	sdelay $0x3  }
0x94: {  	_ =	strace s3  }
0x95: {  	s3 =	sld [smem:$0x3FFD];
	_ =	sdelay $0x3  }
0x96: {  	_ =	strace s3  }
0x97: {  	_ =	strace $0x8FFFFFFF  }
0x98: {  	s19 =	sld [smem:$0x3FDB];
	_ =	sdelay $0x1  }
0x99: {  	s4 =	simm.s32 $_scs_section_size  }
0x9a: {  	s5 =	simm.s32 $_size__tile_overlayer_lowered;
	s6 =	simm.s32 $_tile_overlayer_lowered  }
0x9b: {  	s22 =	simm.s32 $0x1BFF;
	s21 =	sshll.u32 s6, $0x1;
	s3 =	sadd.s32 s4, s19  }
0x9c: {  	s7 =	simm.s32 $0x0;
	s20 =	sshll.u32 s5, $0x1;
	s5 =	sadd.s32 s21, s3  }
0x9d: {  	[timem:s7], [sflag:s22] =	dma.local [hbm:s5], s20  }
0x9e: {  	_ =	swait.ge [sflag:s22], s20  }
0x9f: {  	s4 =	ssub.s32 $0x0, s20;
	[sflag:s22] =	ssyncset.done $0x0  }
0xa0: {  	[sflag:s22] =	ssyncadd.s32 s4;
	_ =	sdelay $0x1  }
0xa1: {  	s23 =	simm.s32 $0x1B8B  }
0xa2: {  	_ =	swait.ge [sflag:s23], $0x1  }
0xa3: {  	[sflag:s23] =	ssyncset.done $0x0  }
0xa4: {  	s25 =	simm.s32 $0x1B8E;
	s24 =	sld [smem:$0x3FFE];
	[sflag:s23] =	ssyncadd.s32 $0xFFFFFFFF  }
0xa5: {  	s26 =	simm.s32 $execute0_lowered;
	[smem:$0x3FD2] =	sst s25  }
0xa6: {  	s5 =	sshll.u32 s26, $0x1;
	_ =	strace $0x80000049;
	[dreg:$0x1] =	wrdreg $0xFFFFFFFF  }
0xa7: {  	s28 =	simm.s32 $_size_execute0_lowered;
	s3 =	sadd.s32 s3, s5;
	[dreg:$0x0] =	wrdreg $0x0  }
0xa8: {  	s5 =	sshll.u32 s28, $0x1;
	[dreg:$0x2] =	wrdreg s3  }
0xa9: {  	[dreg:$0x3] =	wrdreg s5  }
0xaa: {  	[dreg:$0x4] =	wrdreg $0xC0  }
0xab: {  	_ =	task [dreg:s7], $0x5FFFF  }
0xac: {  	[dreg:$0x1] =	wrdreg $0xFFFFFFFF  }
0xad: {  	[dreg:$0x0] =	wrdreg $0x60  }
0xae: {  	[dreg:$0x2] =	wrdreg s2  }
0xaf: {  	[dreg:$0x3] =	wrdreg s24  }
0xb0: {  	[dreg:$0x4] =	wrdreg $0x0  }
0xb1: {  	[dreg:$0x5] =	wrdreg $0x9  }
0xb2: {  	_ =	task.clear_ibuf [dreg:s7], $0x6FFFF;
	_ =	strace $0x90000049  }
0xb3: {  	s29 =	simm.s32 $0x9;
	_ =	strace $0x8000004B  }
0xb4: {  	_ =	swait.ge [sflag:s29], $0x1  }
0xb5: {  	[sflag:s29] =	ssyncadd.s32 $0xFFFFFFFF  }
0xb6: {  	_ =	strace $0x9000004B  }
0xb7: {  	_ =	sfence  }
0xb8: {  	s30 =	sld [smem:$0x0];
	_ =	sdelay $0x2  }
0xb9: {  	s31 =	sshll.u32 s1, $0xD;
	s1 =	sshrl.u32 s1, $0x2  }
0xba: {  	s3 =	sand.u32 $0x4000, s31;
	s1 =	sadd.s32 s1, s30  }
0xbb: {  	s0 =	sor.u32 s3, s0;
	s1 =	sshll.u32 s1, $0x11  }
0xbc: {  	s0 =	sor.u32 s1, s0  }
0xbd: {  	s0 =	sadd.s32 $0x8F2B, s0  }
0xbe: {  	[sflag:s0] =	ssyncadd.remote.s32 $0x1  }
0xbf: {  	_ =	sfence.sel $0xFFFF  }
0xc0: {  	[dreg:$0x0] =	wrdreg $0xFFFFFFFF;
	(pc) =	sbr.abs _section_cstart, $3  }
0xc1: {  	[dreg:$0x1] =	wrdreg $0xFFFFFFFF  }
0xc2: {  	_ =	task.clear_ibuf [dreg:s7], $0x2FFFF;
	_ =	strace $0x9FFFFFFF  }
0xc3: {  	(tm) =	ssettm $0x7FFFFFFF  }
tec
execute0_lowered:
.L_overlay_start_1:
0x0: {  	(tag) =	ssettag $0x1  }
0x1: {  	s2 =	stileid.u32  }
0x2: {  	s4 =	sor.u32 $0x10, s2;
	s23 =	smul.u32 $0x2800, s2  }
0x3: {  	s0 =	srdreg.scid;
	s6 =	sor.u32 $0x20, s2;
	s5 =	smul.u32 $0xA000, s4  }
0x4: {  	s3 =	sand.u32 $0x1, s0;
	s8 =	smul.u32 $0xA000, s6  }
0x5: {  	s0 =	sshll.u32 s3, $0x4;
	s19 =	ssub.s32 $0x2, s3;
	s3 =	smul.u32 $0x138800, s3  }
0x6: {  	s4 =	smul.u32 $0x2800, s4  }
0x7: {  	s12 =	sor.u32 $0x30, s2;
	s6 =	smul.u32 $0x2800, s6  }
0x8: {  	s9 =	rddreg [dreg:$0x1];
	s13 =	sor.u32 $0x40, s2;
	s26 =	smul.u32 $0x2800, s12  }
0x9: {  	s1 =	simm.s32 $0x0;
	s14 =	sor.u32 $0x50, s2;
	s28 =	smul.u32 $0x2800, s13  }
0xa: {  	[smem:$0x7FF] =	sst s1;
	s15 =	sor.u32 $0x60, s2;
	s29 =	smul.u32 $0x2800, s14  }
0xb: {  	s10 =	sadd.s32 $0x14A00, s9;
	s17 =	sor.u32 $0x70, s2;
	s30 =	smul.u32 $0x2800, s15  }
0xc: {  	p0 =	sgt.u32 s2, $0xC;
	s31 =	smul.u32 $0x2800, s17;
	s0 =	sor.u32 s2, s0  }
0xd: {  	s20 =	sshrl.u32 s19, $0x1;
	s0 =	smul.u32 $0x4E2, s0;
	s21 =	sadd.s32 s23, s3  }
0xe: {  	s11 =	sadd.s32 s3, s4;
	s24 =	sadd.s32 s3, s6;
	s16 =	sadd.s32 s3, s26  }
0xf: {  	s22 =	sshrl.u32 s11, $0x3;
	s11 =	sshrl.u32 s24, $0x3;
	s24 =	smul.u32 $0xA000, s12  }
0x10: {  	s18 =	sadd.s32 s3, s29;
	s16 =	sshrl.u32 s16, $0x3;
	s12 =	smul.u32 $0xA000, s13  }
0x11: {  	s13 =	sshrl.u32 s5, $0x2;
	s5 =	simm.s32 $0x50;
	s7 =	sadd.s32 s0, s9  }
0x12: {  	s0 =	ssub.s32 s19, s20;
	s9 =	sshrl.u32 s21, $0x3;
	s25 =	sadd.s32 s10, s11  }
0x13: {  	s11 =	sadd.s32 s10, s16;
	s16 =	sadd.s32 s3, s28;
	s20 =	sadd.s32 s3, s30  }
0x14: {  	s3 =	sadd.s32 s3, s31;
	s9 =	sadd.s32 s10, s9;
	[dreg:$0x6] =	wrdreg s25  }
0x15: {  	[dreg:$0x7] =	wrdreg s11;
	s11 =	sshrl.u32 s18, $0x3;
	s21 =	sshrl.u32 s20, $0x3  }
0x16: {  	s3 =	sshrl.u32 s3, $0x3;
	[dreg:$0x4] =	wrdreg s9;
	s9 =	sadd.s32 s10, s22  }
0x17: {  	s25 =	sadd.s32 $0xAC00, s7;
	s19 =	sadd.s32 s10, s11;
	[dreg:$0x5] =	wrdreg s9  }
0x18: {  	s20 =	smul.u32 $0xA000, s15;
	s11 =	sadd.s32 s10, s21;
	[dreg:$0x9] =	wrdreg s19  }
0x19: {  	s7 =	sadd.s32 $0xE00, s7;
	s22 =	smul.u32 $0xA000, s2;
	[dreg:$0xa] =	wrdreg s11  }
0x1a: {  	s3 =	sadd.s32 s10, s3;
	s21 =	smul.u32 $0xA000, s17;
	s11 =	rddreg [dreg:$0x2]  }
0x1b: {  	s2 =	simm.s32 $0x4;
	s9 =	sshrl.u32 s16, $0x3;
	[dreg:$0xb] =	wrdreg s3  }
0x1c: {  	s16 =	smul.u32 $0xA000, s14;
	s19 =	sshrl.u32 s8, $0x2;
	s8 =	smax.u32 s0, $0x1  }
0x1d: {  	s0 =	simm.s32 $0x13880;
	s9 =	sadd.s32 s10, s9;
	s3 =	sshrl.u32 s22, $0x2  }
0x1e: {  	s10 =	sshrl.u32 s24, $0x2;
	s24 =	sshrl.u32 s20, $0x2;
	s23 =	sadd.s32 s23, s11  }
0x1f: {  	s26 =	sadd.s32 s26, s11;
	s28 =	sadd.s32 s28, s11;
	[dreg:$0x8] =	wrdreg s9  }
0x20: {  	s29 =	sadd.s32 s29, s11;
	s30 =	sadd.s32 s30, s11;
	s9 =	rddreg [dreg:$0x0]  }
0x21: {  	s31 =	sadd.s32 s31, s11;
	_ =	strace $0x8000004A;
	[dreg:$0xc] =	wrdreg s25  }
0x22: {  	s3 =	sadd.s32 s3, s11;
	s18 =	sadd.s32 s10, s11;
	[dreg:$0xd] =	wrdreg s7  }
0x23: {  	s22 =	sshrl.u32 s16, $0x2;
	s10 =	simm.s32 $0x1D6A0;
	[dreg:$0xe] =	wrdreg s3  }
0x24: {  	s3 =	sadd.s32 s13, s11;
	s7 =	sshrl.u32 s12, $0x2;
	s25 =	sshrl.u32 s21, $0x2  }
0x25: {  	s20 =	sadd.s32 s22, s11;
	s21 =	sadd.s32 s24, s11;
	s24 =	sadd.s32 s4, s11  }
0x26: {  	s4 =	simm.s32 $0x3;
	s12 =	simm.s32 $0x2;
	s13 =	simm.s32 $0x0  }
0x27: {  	[dreg:$0xf] =	wrdreg s3;
	s3 =	sadd.s32 s19, s11;
	s19 =	sadd.s32 s7, s11  }
0x28: {  	s22 =	sadd.s32 s25, s11;
	s25 =	sadd.s32 s6, s11;
	s6 =	simm.s32 $0x1AEA0  }
0x29: {  	v0 =	vimm.f32 $0.0e+00;
	s7 =	simm.s32 $0x1;
	[dreg:$0x10] =	wrdreg s3;
	s3 =	simm.s32 $0x186A0  }
.LBB2_1:
0x2a: {  	s14 =	rddreg [dreg:$0xc]  }
0x2b: {  	[tilespmem:s0], [sflag:$0x4] =	stream.linear.gather [hbm4b:s14+s1], $0x2710, $0x38;
	[tilespmem:$0x1FEA0] =	vst v63  }
0x2c: {  	_ =	swait.ge [sflag:s2], $0x2710  }
0x2d: {  	[sflag:s2] =	ssyncset.done $0x0  }
0x2e: {  	s15 =	simm.s32 $0x15F90;
	s17 =	rddreg [dreg:$0xd];
	[sflag:s2] =	ssyncadd.s32 $0xFFFFD8F0  }
0x2f: {  	[tilespmem:s15], [sflag:$0x4] =	stream.linear.gather [hbm4b:s17+s1], $0x2710, $0x38;
	[tilespmem:$0x1FEA0] =	vst v63  }
0x30: {  	_ =	swait.ge [sflag:s2], $0x2710  }
0x31: {  	[sflag:s2] =	ssyncset.done $0x0  }
0x32: {  	s14 =	simm.s32 $0x70;
	s15 =	simm.s32 $0x3C0;
	[sflag:s2] =	ssyncadd.s32 $0xFFFFD8F0  }
.LBB2_2:
0x33: {  	p1 =	sne.s32 s15, $0x9FC0;
	[tilespmem:s14+$0x186A0] =	vst v0  }
0x34: {  	[tilespmem:s14+$0x18630] =	vst v0  }
0x35: {  	[tilespmem:s14+$0x18640] =	vst v0  }
.Ltmp0:
0x36: {  	[tilespmem:s14+$0x18650] =	vst v0;
	(pc) =	sbr.rel @p1 .LBB2_2-.Ltmp0, $4  }
0x37: {  	[tilespmem:s14+$0x18660] =	vst v0  }
0x38: {  	[tilespmem:s14+$0x18670] =	vst v0  }
0x39: {  	[tilespmem:s14+$0x18680] =	vst v0  }
0x3a: {  	[tilespmem:s14+$0x18690] =	vst v0;
	s14 =	sshra.s32 s15, $0x2;
	s15 =	sadd.s32 $0x200, s15  }
0x3b: {  	[tilespmem:s14+$0x186A0] =	vst v0  }
0x3c: {  	[tilespmem:s14+$0x18630] =	vst v0  }
0x3d: {  	[tilespmem:s14+$0x18640] =	vst v0  }
0x3e: {  	[tilespmem:s14+$0x18650] =	vst v0  }
0x3f: {  	[tilespmem:s14+$0x18660] =	vst v0  }
0x40: {  	[tilespmem:s14+$0x18670] =	vst v0  }
0x41: {  	[tilespmem:s14+$0x18680] =	vst v0  }
0x42: {  	[tilespmem:s14+$0x18690] =	vst v0;
	s17 =	rddreg [dreg:$0xe]  }
0x43: {  	[spmem:s17] =	stream.linear.scatter [tilespmem:s3], [sflag:$0x3], $0x2800, $0x38;
	[tilespmem:$0x1FEA0] =	vst v63  }
0x44: {  	s15 =	rddreg [dreg:$0xf]  }
0x45: {  	[spmem:s15] =	stream.linear.scatter [tilespmem:s3], [sflag:$0x3], $0x2800, $0x38;
	[tilespmem:$0x1FEA0] =	vst v63  }
0x46: {  	s16 =	rddreg [dreg:$0x10]  }
0x47: {  	[spmem:s16] =	stream.linear.scatter [tilespmem:s3], [sflag:$0x3], $0x2800, $0x38;
	[tilespmem:$0x1FEA0] =	vst v63  }
0x48: {  	_ = 	snop  }
0x49: {  	[spmem:s18] =	stream.linear.scatter [tilespmem:s3], [sflag:$0x3], $0x2800, $0x38;
	[tilespmem:$0x1FEA0] =	vst v63  }
0x4a: {  	_ = 	snop  }
0x4b: {  	[spmem:s19] =	stream.linear.scatter [tilespmem:s3], [sflag:$0x3], $0x2800, $0x38;
	[tilespmem:$0x1FEA0] =	vst v63  }
0x4c: {  	_ = 	snop  }
0x4d: {  	[spmem:s20] =	stream.linear.scatter [tilespmem:s3], [sflag:$0x3], $0x2800, $0x38;
	[tilespmem:$0x1FEA0] =	vst v63  }
0x4e: {  	_ = 	snop  }
0x4f: {  	[spmem:s21] =	stream.linear.scatter [tilespmem:s3], [sflag:$0x3], $0x2800, $0x38;
	[tilespmem:$0x1FEA0] =	vst v63  }
0x50: {  	s14 =	simm.s32 @!p0 $0x186A0  }
0x51: {  	[spmem:s22] =	stream.linear.scatter @!p0 [tilespmem:s14], [sflag:$0x3], $0x2800, $0x38;
	[tilespmem:$0x1FEA0] =	vst v63  }
0x52: {  	_ =	swait.ge [sflag:s4], $0x2800  }
0x53: {  	[sflag:s4] =	ssyncset.done $0x0  }
0x54: {  	[sflag:s4] =	ssyncadd.s32 $0xFFFFD800  }
0x55: {  	_ =	swait.ge [sflag:s4], $0x2800  }
0x56: {  	[sflag:s4] =	ssyncset.done $0x0  }
0x57: {  	[sflag:s4] =	ssyncadd.s32 $0xFFFFD800  }
0x58: {  	_ =	swait.ge [sflag:s4], $0x2800  }
0x59: {  	[sflag:s4] =	ssyncset.done $0x0  }
0x5a: {  	[sflag:s4] =	ssyncadd.s32 $0xFFFFD800  }
0x5b: {  	_ =	swait.ge [sflag:s4], $0x2800  }
0x5c: {  	[sflag:s4] =	ssyncset.done $0x0  }
0x5d: {  	[sflag:s4] =	ssyncadd.s32 $0xFFFFD800  }
0x5e: {  	_ =	swait.ge [sflag:s4], $0x2800  }
0x5f: {  	[sflag:s4] =	ssyncset.done $0x0  }
0x60: {  	[sflag:s4] =	ssyncadd.s32 $0xFFFFD800  }
0x61: {  	_ =	swait.ge [sflag:s4], $0x2800  }
0x62: {  	[sflag:s4] =	ssyncset.done $0x0  }
0x63: {  	[sflag:s4] =	ssyncadd.s32 $0xFFFFD800  }
0x64: {  	_ =	swait.ge [sflag:s4], $0x2800  }
0x65: {  	[sflag:s4] =	ssyncset.done $0x0  }
0x66: {  	s14 =	simm.s32 @!p0 $0x3;
	[sflag:s4] =	ssyncadd.s32 $0xFFFFD800  }
0x67: {  	_ =	swait.ge @!p0 [sflag:s14], $0x2800  }
0x68: {  	[sflag:s14] =	ssyncset.done @!p0 $0x0  }
0x69: {  	[sflag:s14] =	ssyncadd.s32 @!p0 $0xFFFFD800  }
0x6a: {  	[bflag:$0x0] =	sbarrier.arrive $0xFFFF  }
0x6b: {  	[tilespmem:s3], [sflag:$0x1] =	stream.indirect.gather [hbm4b:s9+s5], $0x80, s0, s5, $0xb8;
	[tilespmem:$0x1FEA0] =	vst v63  }
0x6c: {  	s17 =	simm.s32 $0x138D0  }
0x6d: {  	[tilespmem:s6], [sflag:$0x2] =	stream.indirect.gather [hbm4b:s9+s5], $0x80, s17, s5, $0xb8;
	[tilespmem:$0x1FEA0] =	vst v63  }
0x6e: {  	_ =	swait.ge [sflag:s7], $0x2800  }
0x6f: {  	[sflag:s7] =	ssyncset.done $0x0  }
0x70: {  	s15 =	simm.s32 $0x13920;
	[sflag:s7] =	ssyncadd.s32 $0xFFFFD800  }
0x71: {  	[tilespmem:s10], [sflag:$0x3] =	stream.indirect.gather [hbm4b:s9+s5], $0x80, s15, s5, $0xb8;
	[tilespmem:$0x1FEA0] =	vst v63  }
0x72: {  	s16 =	simm.s32 $0x15F90  }
0x73: {  	[spmem:s11] =	stream.indirect.scatter.add.f32 [tilespmem:s3], [sflag:$0x4], $0x80, s16, s5, $0xb8;
	[tilespmem:$0x1FEA0] =	vst v63  }
0x74: {  	_ =	swait.ge [sflag:s2], $0x2800  }
0x75: {  	[sflag:s2] =	ssyncset.done $0x0  }
0x76: {  	[sflag:s2] =	ssyncadd.s32 $0xFFFFD800  }
0x77: {  	_ =	swait.ge [sflag:s12], $0x2800  }
0x78: {  	[sflag:s12] =	ssyncset.done $0x0  }
0x79: {  	s17 =	simm.s32 $0x13970;
	[sflag:s12] =	ssyncadd.s32 $0xFFFFD800  }
0x7a: {  	[tilespmem:s3], [sflag:$0x1] =	stream.indirect.gather [hbm4b:s9+s5], $0x80, s17, s5, $0xb8;
	[tilespmem:$0x1FEA0] =	vst v63  }
0x7b: {  	s15 =	simm.s32 $0x15FE0  }
0x7c: {  	[spmem:s11] =	stream.indirect.scatter.add.f32 [tilespmem:s6], [sflag:$0x4], $0x80, s15, s5, $0xb8;
	[tilespmem:$0x1FEA0] =	vst v63  }
0x7d: {  	_ =	swait.ge [sflag:s2], $0x2800  }
0x7e: {  	[sflag:s2] =	ssyncset.done $0x0  }
0x7f: {  	[sflag:s2] =	ssyncadd.s32 $0xFFFFD800  }
0x80: {  	_ =	swait.ge [sflag:s4], $0x2800  }
0x81: {  	[sflag:s4] =	ssyncset.done $0x0  }
0x82: {  	s16 =	simm.s32 $0x139C0;
	[sflag:s4] =	ssyncadd.s32 $0xFFFFD800  }
0x83: {  	[tilespmem:s6], [sflag:$0x2] =	stream.indirect.gather [hbm4b:s9+s5], $0x80, s16, s5, $0xb8;
	[tilespmem:$0x1FEA0] =	vst v63  }
0x84: {  	s17 =	simm.s32 $0x16030  }
0x85: {  	[spmem:s11] =	stream.indirect.scatter.add.f32 [tilespmem:s10], [sflag:$0x4], $0x80, s17, s5, $0xb8;
	[tilespmem:$0x1FEA0] =	vst v63  }
0x86: {  	_ =	swait.ge [sflag:s2], $0x2800  }
0x87: {  	s14 =	simm.s32 $0x3C0;
	[sflag:s2] =	ssyncset.done $0x0  }
.LBB2_4:
0x88: {  	p1 =	sne.s32 s14, $0x9600  }
0x89: {  	[sflag:s2] =	ssyncadd.s32 $0xFFFFD800;
	s15 =	smov.u32 s14;
	s14 =	sadd.s32 $0x3C0, s14  }
0x8a: {  	_ = 	snop  }
0x8b: {  	_ =	swait.ge [sflag:s7], $0x2800  }
0x8c: {  	s15 =	sshra.s32 s15, $0x2;
	[sflag:s7] =	ssyncset.done $0x0  }
0x8d: {  	s16 =	sadd.s32 $0x13920, s15;
	[sflag:s7] =	ssyncadd.s32 $0xFFFFD800  }
0x8e: {  	[tilespmem:s10], [sflag:$0x3] =	stream.indirect.gather [hbm4b:s9+s5], $0x80, s16, s5, $0xb8;
	[tilespmem:$0x1FEA0] =	vst v63  }
0x8f: {  	s16 =	sadd.s32 $0x15F90, s15  }
0x90: {  	[spmem:s11] =	stream.indirect.scatter.add.f32 [tilespmem:s3], [sflag:$0x4], $0x80, s16, s5, $0xb8;
	[tilespmem:$0x1FEA0] =	vst v63  }
0x91: {  	_ =	swait.ge [sflag:s2], $0x2800  }
0x92: {  	[sflag:s2] =	ssyncset.done $0x0  }
0x93: {  	[sflag:s2] =	ssyncadd.s32 $0xFFFFD800  }
0x94: {  	_ =	swait.ge [sflag:s12], $0x2800  }
0x95: {  	[sflag:s12] =	ssyncset.done $0x0  }
0x96: {  	s16 =	sadd.s32 $0x13970, s15;
	[sflag:s12] =	ssyncadd.s32 $0xFFFFD800  }
0x97: {  	[tilespmem:s3], [sflag:$0x1] =	stream.indirect.gather [hbm4b:s9+s5], $0x80, s16, s5, $0xb8;
	[tilespmem:$0x1FEA0] =	vst v63  }
0x98: {  	s16 =	sadd.s32 $0x15FE0, s15  }
0x99: {  	[spmem:s11] =	stream.indirect.scatter.add.f32 [tilespmem:s6], [sflag:$0x4], $0x80, s16, s5, $0xb8;
	[tilespmem:$0x1FEA0] =	vst v63  }
0x9a: {  	_ =	swait.ge [sflag:s2], $0x2800  }
0x9b: {  	[sflag:s2] =	ssyncset.done $0x0  }
0x9c: {  	[sflag:s2] =	ssyncadd.s32 $0xFFFFD800  }
0x9d: {  	_ =	swait.ge [sflag:s4], $0x2800  }
0x9e: {  	[sflag:s4] =	ssyncset.done $0x0  }
0x9f: {  	s16 =	sadd.s32 $0x139C0, s15;
	[sflag:s4] =	ssyncadd.s32 $0xFFFFD800  }
0xa0: {  	[tilespmem:s6], [sflag:$0x2] =	stream.indirect.gather [hbm4b:s9+s5], $0x80, s16, s5, $0xb8;
	[tilespmem:$0x1FEA0] =	vst v63  }
.Ltmp1:
0xa1: {  	_ = 	snop;
	(pc) =	sbr.rel @p1 .LBB2_4-.Ltmp1, $4  }
0xa2: {  	s15 =	sadd.s32 $0x16030, s15  }
0xa3: {  	[spmem:s11] =	stream.indirect.scatter.add.f32 [tilespmem:s10], [sflag:$0x4], $0x80, s15, s5, $0xb8;
	[tilespmem:$0x1FEA0] =	vst v63  }
0xa4: {  	_ =	swait.ge [sflag:s2], $0x2800  }
0xa5: {  	[sflag:s2] =	ssyncset.done $0x0  }
0xa6: {  	[sflag:s2] =	ssyncadd.s32 $0xFFFFD800  }
0xa7: {  	_ =	swait.ge [sflag:s7], $0x2800  }
0xa8: {  	[sflag:s7] =	ssyncset.done $0x0  }
0xa9: {  	s14 =	simm.s32 $0x18600;
	[sflag:s7] =	ssyncadd.s32 $0xFFFFD800  }
0xaa: {  	[spmem:s11] =	stream.indirect.scatter.add.f32 [tilespmem:s3], [sflag:$0x4], $0x80, s14, s5, $0xb8;
	[tilespmem:$0x1FEA0] =	vst v63  }
0xab: {  	_ =	swait.ge [sflag:s2], $0x2800  }
0xac: {  	[sflag:s2] =	ssyncset.done $0x0  }
0xad: {  	[sflag:s2] =	ssyncadd.s32 $0xFFFFD800  }
0xae: {  	_ =	swait.ge [sflag:s12], $0x2800  }
0xaf: {  	[sflag:s12] =	ssyncset.done $0x0  }
0xb0: {  	s16 =	simm.s32 $0x18650;
	[sflag:s12] =	ssyncadd.s32 $0xFFFFD800  }
0xb1: {  	[spmem:s11] =	stream.indirect.scatter.add.f32 [tilespmem:s6], [sflag:$0x4], $0x80, s16, s5, $0xb8;
	[tilespmem:$0x1FEA0] =	vst v63  }
0xb2: {  	_ =	swait.ge [sflag:s2], $0x2800  }
0xb3: {  	[sflag:s2] =	ssyncset.done $0x0  }
0xb4: {  	[sflag:s2] =	ssyncadd.s32 $0xFFFFD800  }
0xb5: {  	[bflag:$0x0] =	sbarrier.arrive $0xFFFF  }
0xb6: {  	[tilespmem:s3], [sflag:$0x4] =	stream.linear.gather [spmem:s23], $0x2800, $0x38;
	[tilespmem:$0x1FEA0] =	vst v63  }
0xb7: {  	_ =	swait.ge [sflag:s2], $0x2800  }
0xb8: {  	[sflag:s2] =	ssyncset.done $0x0  }
0xb9: {  	s17 =	rddreg [dreg:$0x4];
	[sflag:s2] =	ssyncadd.s32 $0xFFFFD800  }
0xba: {  	[hbm4b:s17+s1] =	stream.linear.scatter [tilespmem:s3], [sflag:$0x1], $0x2800, $0x38;
	[tilespmem:$0x1FEA0] =	vst v63  }
0xbb: {  	_ = 	snop  }
0xbc: {  	[tilespmem:s6], [sflag:$0x4] =	stream.linear.gather [spmem:s24], $0x2800, $0x38;
	[tilespmem:$0x1FEA0] =	vst v63  }
0xbd: {  	_ =	swait.ge [sflag:s2], $0x2800  }
0xbe: {  	[sflag:s2] =	ssyncset.done $0x0  }
0xbf: {  	s15 =	rddreg [dreg:$0x5];
	[sflag:s2] =	ssyncadd.s32 $0xFFFFD800  }
0xc0: {  	[hbm4b:s15+s1] =	stream.linear.scatter [tilespmem:s6], [sflag:$0x2], $0x2800, $0x38;
	[tilespmem:$0x1FEA0] =	vst v63  }
0xc1: {  	_ =	swait.ge [sflag:s7], $0x2800  }
0xc2: {  	[sflag:s7] =	ssyncset.done $0x0  }
0xc3: {  	[sflag:s7] =	ssyncadd.s32 $0xFFFFD800  }
0xc4: {  	[tilespmem:s3], [sflag:$0x4] =	stream.linear.gather [spmem:s25], $0x2800, $0x38;
	[tilespmem:$0x1FEA0] =	vst v63  }
0xc5: {  	_ =	swait.ge [sflag:s2], $0x2800  }
0xc6: {  	[sflag:s2] =	ssyncset.done $0x0  }
0xc7: {  	s16 =	rddreg [dreg:$0x6];
	[sflag:s2] =	ssyncadd.s32 $0xFFFFD800  }
0xc8: {  	[hbm4b:s16+s1] =	stream.linear.scatter [tilespmem:s3], [sflag:$0x1], $0x2800, $0x38;
	[tilespmem:$0x1FEA0] =	vst v63  }
0xc9: {  	_ =	swait.ge [sflag:s12], $0x2800  }
0xca: {  	[sflag:s12] =	ssyncset.done $0x0  }
0xcb: {  	[sflag:s12] =	ssyncadd.s32 $0xFFFFD800  }
0xcc: {  	[tilespmem:s6], [sflag:$0x4] =	stream.linear.gather [spmem:s26], $0x2800, $0x38;
	[tilespmem:$0x1FEA0] =	vst v63  }
0xcd: {  	_ =	swait.ge [sflag:s2], $0x2800  }
0xce: {  	[sflag:s2] =	ssyncset.done $0x0  }
0xcf: {  	s17 =	rddreg [dreg:$0x7];
	[sflag:s2] =	ssyncadd.s32 $0xFFFFD800  }
0xd0: {  	[hbm4b:s17+s1] =	stream.linear.scatter [tilespmem:s6], [sflag:$0x2], $0x2800, $0x38;
	[tilespmem:$0x1FEA0] =	vst v63  }
0xd1: {  	_ =	swait.ge [sflag:s7], $0x2800  }
0xd2: {  	[sflag:s7] =	ssyncset.done $0x0  }
0xd3: {  	[sflag:s7] =	ssyncadd.s32 $0xFFFFD800  }
0xd4: {  	[tilespmem:s3], [sflag:$0x4] =	stream.linear.gather [spmem:s28], $0x2800, $0x38;
	[tilespmem:$0x1FEA0] =	vst v63  }
0xd5: {  	_ =	swait.ge [sflag:s2], $0x2800  }
0xd6: {  	[sflag:s2] =	ssyncset.done $0x0  }
0xd7: {  	s15 =	rddreg [dreg:$0x8];
	[sflag:s2] =	ssyncadd.s32 $0xFFFFD800  }
0xd8: {  	[hbm4b:s15+s1] =	stream.linear.scatter [tilespmem:s3], [sflag:$0x1], $0x2800, $0x38;
	[tilespmem:$0x1FEA0] =	vst v63  }
0xd9: {  	_ =	swait.ge [sflag:s12], $0x2800  }
0xda: {  	[sflag:s12] =	ssyncset.done $0x0  }
0xdb: {  	[sflag:s12] =	ssyncadd.s32 $0xFFFFD800  }
0xdc: {  	[tilespmem:s6], [sflag:$0x4] =	stream.linear.gather [spmem:s29], $0x2800, $0x38;
	[tilespmem:$0x1FEA0] =	vst v63  }
0xdd: {  	_ =	swait.ge [sflag:s2], $0x2800  }
0xde: {  	[sflag:s2] =	ssyncset.done $0x0  }
0xdf: {  	s16 =	rddreg [dreg:$0x9];
	[sflag:s2] =	ssyncadd.s32 $0xFFFFD800  }
0xe0: {  	[hbm4b:s16+s1] =	stream.linear.scatter [tilespmem:s6], [sflag:$0x2], $0x2800, $0x38;
	[tilespmem:$0x1FEA0] =	vst v63  }
0xe1: {  	_ =	swait.ge [sflag:s7], $0x2800  }
0xe2: {  	[sflag:s7] =	ssyncset.done $0x0  }
0xe3: {  	[sflag:s7] =	ssyncadd.s32 $0xFFFFD800  }
0xe4: {  	[tilespmem:s3], [sflag:$0x4] =	stream.linear.gather [spmem:s30], $0x2800, $0x38;
	[tilespmem:$0x1FEA0] =	vst v63  }
0xe5: {  	_ =	swait.ge [sflag:s2], $0x2800  }
0xe6: {  	[sflag:s2] =	ssyncset.done $0x0  }
0xe7: {  	s14 =	simm.s32 @!p0 $0x2;
	s17 =	rddreg [dreg:$0xa];
	[sflag:s2] =	ssyncadd.s32 $0xFFFFD800  }
0xe8: {  	[hbm4b:s17+s1] =	stream.linear.scatter [tilespmem:s3], [sflag:$0x1], $0x2800, $0x38;
	[tilespmem:$0x1FEA0] =	vst v63  }
0xe9: {  	_ =	swait.ge @!p0 [sflag:s14], $0x2800  }
0xea: {  	[sflag:s14] =	ssyncset.done @!p0 $0x0  }
0xeb: {  	s15 =	simm.s32 @!p0 $0x1AEA0;
	s16 =	simm.s32 @!p0 $0x4;
	[sflag:s14] =	ssyncadd.s32 @!p0 $0xFFFFD800  }
0xec: {  	[tilespmem:s15], [sflag:$0x4] =	stream.linear.gather @!p0 [spmem:s31], $0x2800, $0x38;
	[tilespmem:$0x1FEA0] =	vst v63  }
0xed: {  	_ =	swait.ge @!p0 [sflag:s16], $0x2800  }
0xee: {  	[sflag:s16] =	ssyncset.done @!p0 $0x0  }
0xef: {  	s17 =	rddreg [dreg:$0xb];
	[sflag:s16] =	ssyncadd.s32 @!p0 $0xFFFFD800;
	s16 =	simm.s32 @!p0 $0x0  }
0xf0: {  	[hbm4b:s17+s16] =	stream.linear.scatter @!p0 [tilespmem:s15], [sflag:$0x2], $0x2800, $0x38;
	[tilespmem:$0x1FEA0] =	vst v63  }
0xf1: {  	s13 =	sadd.s32 $0x1, s13;
	s15 =	simm.s32 @!p0 $0x1  }
0xf2: {  	p1 =	sne.s32 s13, s8;
	_ =	swait.ge @!p0 [sflag:s15], $0x2800  }
.Ltmp2:
0xf3: {  	[sflag:s15] =	ssyncset.done @!p0 $0x0;
	(pc) =	sbr.rel @p1 .LBB2_1-.Ltmp2, $4  }
0xf4: {  	s14 =	simm.s32 @p0 $0x1;
	[sflag:s15] =	ssyncadd.s32 @!p0 $0xFFFFD800  }
0xf5: {  	_ =	swait.ge [sflag:s14], $0x2800  }
0xf6: {  	[sflag:s14] =	ssyncset.done $0x0  }
0xf7: {  	[sflag:s14] =	ssyncadd.s32 $0xFFFFD800  }
0xf8: {  	_ =	sfence.sel $0x180000  }
0xf9: {  	[bflag:$0x0] =	sbarrier.arrive $0xFFFF  }
0xfa: {  	_ =	strace $0x9000004A  }
0xfb: {  	s0 =	stileid.u32;
	[bflag:$0x2] =	sbarrier.arrive $0xFFFF  }
0xfc: {  	p0 =	sne.s32 s0, $0x0;
	s0 =	rddreg [dreg:$0x3]  }
0xfd: {  	s0 =	sadd.s32 @!p0 $0x100000, s0  }
0xfe: {  	[sflag:s0] =	ssyncadd.tile.s32 @!p0 $0x1;
	_ =	shalt  }
.Lfunc_end2:
_tile_overlayer_lowered:
.L_overlay_start_2:
0xff: {  	(tag) =	ssettag $0x2  }
0x100: {  	s0 =	rddreg [dreg:$0x0];
	s2 =	stileid.u32  }
0x101: {  	s1 =	rddreg [dreg:$0x1];
	p0 =	sne.s32 s2, $0x0  }
0x102: {  	s3 =	rddreg [dreg:$0x2];
	[bflag:$0x3] =	sbarrier.arrive $0xFFFF;
	s2 =	simm.s32 @!p0 $0x1C04  }
0x103: {  	[timem:s3], [sflag:s2] =	dma.local @!p0 [hbm:s0], s1  }
0x104: {  	s0 =	simm.s32 @!p0 $0x4  }
0x105: {  	_ =	swait.ge @!p0 [sflag:s0], s1  }
0x106: {  	s1 =	ssub.s32 @!p0 $0x0, s1;
	[sflag:s0] =	ssyncset.done @!p0 $0x0  }
0x107: {  	[sflag:s0] =	ssyncadd.s32 @!p0 s1  }
0x108: {  	[bflag:$0x3] =	sbarrier.arrive $0xFFFF  }
0x109: {  	_ =	shalt  }

</sc_bundles>
